<compile_context>
chip_gen: v7x
topology: tpu7x:2x2x1
jax: 0.10.2.dev20260603
libtpu: 0.0.44.dev20260713+nightly
codegen_flags: <defaults>
</compile_context>

<pallas_src>
import jax
import jax.numpy as jnp
from jax import lax
from jax.experimental import pallas as pl
from jax.experimental.pallas import tpu as pltpu
from jax.experimental.pallas import tpu_sc as plsc

_NQ = 16384
_NK = 8192
_LOSS_WEIGHT = 1.0

_NSC = 4096
_NW = 32
_QPW = _NSC // _NW
_QB = 8
_L = 16
_QBLK = 1024



def _sc_body(q_hbm, k_hbm, out_hbm, kv, qv, outv):
    wid = lax.axis_index("s") * 2 + lax.axis_index("c")
    pltpu.sync_copy(k_hbm, kv.at[pl.ds(0, 3)])
    pltpu.sync_copy(q_hbm.at[wid], qv)

    iota = lax.iota(jnp.int32, _L)
    big = jnp.full((_L,), jnp.int32(1 << 30))
    ninf = jnp.full((_L,), -jnp.inf, jnp.float32)
    zero_i = jnp.full((_L,), jnp.int32(0))
    perms = [iota ^ k for k in (1, 2, 4, 8)]
    _dnums = lax.GatherDimensionNumbers(
        offset_dims=(), collapsed_slice_dims=(0,), start_index_map=(0,))

    def _shuf(v, perm):
        return lax.gather(v, perm[:, None], _dnums, (1,),
                          mode=lax.GatherScatterMode.PROMISE_IN_BOUNDS)

    def _bfly(v, op):
        for perm in perms:
            v = op(v, _shuf(v, perm))
        return v

    def stage(kb, c):
        kx = kv[0, pl.ds(kb * _L, _L)]
        ky = kv[1, pl.ds(kb * _L, _L)]
        kz = kv[2, pl.ds(kb * _L, _L)]
        kv[3, pl.ds(kb * _L, _L)] = -0.5 * (kx * kx + ky * ky + kz * kz)
        return c

    lax.fori_loop(0, _NK // _L, stage, 0)

    def outer(qb, acc):
        qxv = qv[0, pl.ds(qb * _L, _L)]
        qyv = qv[1, pl.ds(qb * _L, _L)]
        qzv = qv[2, pl.ds(qb * _L, _L)]
        for p in range(2):
            qs = []
            for u in range(_QB):
                lane = p * _QB + u
                qs.append((jnp.broadcast_to(qxv[lane], (_L,)),
                           jnp.broadcast_to(qyv[lane], (_L,)),
                           jnp.broadcast_to(qzv[lane], (_L,))))

            def inner(kb, carry):
                bvs, bis = carry
                base = kb * _L
                kx = kv[0, pl.ds(base, _L)]
                ky = kv[1, pl.ds(base, _L)]
                kz = kv[2, pl.ds(base, _L)]
                tv = kv[3, pl.ds(base, _L)]
                idxv = iota + base
                nbvs, nbis = [], []
                for u in range(_QB):
                    qx, qy, qz = qs[u]
                    s = qx * kx + tv
                    s = s + qy * ky
                    s = s + qz * kz
                    gt = s > bvs[u]
                    nbvs.append(jnp.where(gt, s, bvs[u]))
                    nbis.append(jnp.where(gt, idxv, bis[u]))
                return tuple(nbvs), tuple(nbis)

            bvs, bis = lax.fori_loop(
                0, _NK // _L, inner,
                (tuple(ninf for _ in range(_QB)),
                 tuple(zero_i for _ in range(_QB))))
            for u in range(_QB):
                m = _bfly(bvs[u], jnp.maximum)
                cand = jnp.where(bvs[u] == m, bis[u], big)
                bi = _bfly(cand, jnp.minimum)
                acc = acc + bi.astype(jnp.float32)
        return acc

    acc = lax.fori_loop(0, _QPW // 16, outer,
                        jnp.zeros((_L,), jnp.float32))
    outv[...] = acc
    pltpu.sync_copy(outv, out_hbm.at[wid])


def _sc_sums(q_t, k_t):
    mesh = plsc.VectorSubcoreMesh(core_axis_name="c", subcore_axis_name="s",
                                  num_cores=2, num_subcores=16)
    f = pl.kernel(
        _sc_body,
        mesh=mesh,
        out_type=jax.ShapeDtypeStruct((_NW, _L), jnp.float32),
        scratch_types=[
            pltpu.VMEM((4, _NK), jnp.float32),
            pltpu.VMEM((3, _QPW), jnp.float32),
            pltpu.VMEM((_L,), jnp.float32),
        ],
    )
    return f(q_t, k_t)



def _tc_body(q_ref, kt_ref, out_ref):
    val = jnp.dot(q_ref[...], kt_ref[...],
                  preferred_element_type=jnp.float32)
    m = jnp.max(val, axis=1, keepdims=True)
    ids = jax.lax.broadcasted_iota(jnp.int32, val.shape, 1)
    idx = jnp.min(jnp.where(val == m, ids, _NK), axis=1)
    out_ref[0, 0, :] = jnp.broadcast_to(
        jnp.sum(idx.astype(jnp.float32)), (128,))


def _tc_sums(q_pad, kt_pad):
    grid = q_pad.shape[0] // _QBLK
    return pl.pallas_call(
        _tc_body,
        grid=(grid,),
        in_specs=[
            pl.BlockSpec((_QBLK, 8), lambda i: (i, 0)),
            pl.BlockSpec((8, _NK), lambda i: (0, 0)),
        ],
        out_specs=pl.BlockSpec((1, 1, 128), lambda i: (i, 0, 0)),
        out_shape=jax.ShapeDtypeStruct((grid, 1, 128), jnp.float32),
    )(q_pad, kt_pad)



def kernel(adv_pc, ori_pc):
    k = ori_pc[:, :3]

    total = jnp.float32(0.0)
    if _NSC > 0:
        assert _NSC <= 8192
        q_sc = adv_pc[:_NSC, :3].reshape(_NW, _QPW, 3).transpose(0, 2, 1)
        total = total + jnp.sum(_sc_sums(q_sc, k.T)[:, 0])
    if _NSC < _NQ:
        bias = -0.5 * jnp.sum(k * k, axis=1, keepdims=True)
        q_tc = jnp.concatenate([adv_pc[_NSC:, :3], k], axis=0)
        ones = jnp.ones((q_tc.shape[0], 1), jnp.float32)
        q_pad = jnp.pad(jnp.concatenate([q_tc, ones], axis=1),
                        ((0, 0), (0, 4)))
        kt_pad = jnp.pad(jnp.concatenate([k, bias], axis=1).T,
                         ((0, 4), (0, 0)))
        total = total + jnp.sum(_tc_sums(q_pad, kt_pad)[:, 0, 0])
    return (total / jnp.float32(_NK)) * _LOSS_WEIGHT

# --- scband reference (transcript-rebuilt; emitter-appended) ---
"""Pipeline reference for scband-chamfer-distance-89764816486827 (READ-ONLY COPY).

The authoritative reference and input builder live on the scoring server;
editing this copy changes nothing except your own understanding.
"""

import jax, jax.numpy as jnp
import numpy as np

LOSS_WEIGHT = 1.0

def setup_inputs(seed: int = 0) -> dict:
    key = jax.random.key(seed)
    k1, k2 = jax.random.split(key)
    adv_pc = jax.random.normal(k1, (8192, 3), dtype=jnp.float32)
    ori_pc = jax.random.normal(k2, (8192, 3), dtype=jnp.float32)
    return {"adv_pc": adv_pc, "ori_pc": ori_pc}

def _sq_dists(a, b):
    # [Na, Nb] squared L2 distances (matches faiss IndexFlatL2 metric)
    a2 = jnp.sum(a * a, axis=1, keepdims=True)          # [Na, 1]
    b2 = jnp.sum(b * b, axis=1, keepdims=True).T        # [1, Nb]
    return a2 + b2 - 2.0 * (a @ b.T)

def reference(adv_pc, ori_pc):
    # Original torch module detaches, moves to numpy, and does faiss top-1 search.
    # faiss.search returns (distances, indices); the module takes the INDICES
    # and means them as floats (faithfully reproduced here), with the whole
    # kNN path detached from autograd.
    adv_xyz = adv_pc[:, :3]
    ori_xyz = ori_pc[:, :3]
    d_adv_to_ori = _sq_dists(adv_xyz, ori_xyz)   # search adv queries against ori index
    d_ori_to_adv = d_adv_to_ori.T                # search ori queries against ori index? no: ori vs ori... 
    # NOTE: original adds ori_xyz to the index and searches BOTH adv_xyz and ori_xyz
    # against the ori index. Reproduce exactly:
    d_ori_to_ori = _sq_dists(ori_xyz, ori_xyz)
    idx_adv_to_ori = jax.lax.stop_gradient(jnp.argmin(d_adv_to_ori, axis=1))  # [Na]
    idx_ori_to_adv = jax.lax.stop_gradient(jnp.argmin(d_ori_to_ori, axis=1))  # [No]
    min_dist_adv_to_ori = jnp.mean(idx_adv_to_ori.astype(jnp.float32))
    min_dist_ori_to_adv = jnp.mean(idx_ori_to_adv.astype(jnp.float32))
    chamfer_loss = min_dist_adv_to_ori + min_dist_ori_to_adv
    return chamfer_loss * LOSS_WEIGHT

if __name__ == "__main__":
    import jax
    _d = setup_inputs()
    print(jax.jit(kernel)(*tuple(_d.values())))

</pallas_src>

<mosaic_0001>
#map = affine_map<(d0, d1) -> (0, 0, 0)>
#map1 = affine_map<(d0, d1) -> (0, 0)>
module attributes {stable_mosaic.version = 14 : i64} {
  func.func @_sc_body(%arg0: i32, %arg1: i32, %arg2: memref<32x3x128xf32, #tpu.memory_space<hbm>>, %arg3: memref<3x8192xf32, #tpu.memory_space<hbm>>, %arg4: memref<32x16xf32, #tpu.memory_space<hbm>>, %arg5: memref<4x8192xf32, #tpu.memory_space<vmem>>, %arg6: memref<3x128xf32, #tpu.memory_space<vmem>>, %arg7: memref<16xf32, #tpu.memory_space<vmem>>) attributes {dimension_semantics = [#tpu.dimension_semantics<core_parallel>, #tpu.dimension_semantics<subcore_parallel>], iteration_bounds = array<i64: 2, 16>, scalar_prefetch = 0 : i64, scratch_operands = 3 : i64, tpu.core_type = #tpu.core_type<sc_vector_subcore>, window_params = [{transform_indices = #map}, {transform_indices = #map1}, {transform_indices = #map1}]} {
    %mul3A = arith.constant 2 : i32
    %mul3A_0 = arith.muli %arg1, %mul3A : i32
    %add3A = arith.addi %mul3A_0, %arg0 : i32
    "tpu.region"() ({
      %run_scoped3A = tpu.sem_alloc : memref<!tpu.dma_semaphore, #tpu.memory_space<semaphore_mem>>
      %dma_start3A = arith.constant 0 : i32
      %dma_start3A_33 = arith.constant 0 : i32
      %dma_start3A_34 = tpu.memref_slice %arg5[%dma_start3A, %dma_start3A_33] : memref<4x8192xf32, #tpu.memory_space<vmem>> -> memref<3x8192xf32, #tpu.memory_space<vmem>>
      %dma_start3A_35 = arith.constant 0 : i32
      %dma_start3A_36 = arith.constant 0 : i32
      %dma_start3A_37 = tpu.memref_slice %arg5[%dma_start3A_35, %dma_start3A_36] : memref<4x8192xf32, #tpu.memory_space<vmem>> -> memref<3x8192xf32, #tpu.memory_space<vmem>>
      tpu.enqueue_dma source(%arg3 : memref<3x8192xf32, #tpu.memory_space<hbm>>) target(%dma_start3A_37 : memref<3x8192xf32, #tpu.memory_space<vmem>>) target_semaphore(%run_scoped3A : memref<!tpu.dma_semaphore, #tpu.memory_space<semaphore_mem>>)
      %dma_wait3A = arith.constant 0 : i32
      %dma_wait3A_38 = arith.constant 0 : i32
      %dma_wait3A_39 = tpu.memref_slice %arg5[%dma_wait3A, %dma_wait3A_38] : memref<4x8192xf32, #tpu.memory_space<vmem>> -> memref<3x8192xf32, #tpu.memory_space<vmem>>
      %dma_wait3A_40 = arith.constant 0 : i32
      %dma_wait3A_41 = arith.constant 0 : i32
      %dma_wait3A_42 = tpu.memref_slice %arg5[%dma_wait3A_40, %dma_wait3A_41] : memref<4x8192xf32, #tpu.memory_space<vmem>> -> memref<3x8192xf32, #tpu.memory_space<vmem>>
      tpu.wait_dma2 semaphore(%run_scoped3A : memref<!tpu.dma_semaphore, #tpu.memory_space<semaphore_mem>>) src(%arg3 : memref<3x8192xf32, #tpu.memory_space<hbm>>) dst(%dma_wait3A_42 : memref<3x8192xf32, #tpu.memory_space<vmem>>)
      tpu.yield
    }) : () -> ()
    "tpu.region"() ({
      %run_scoped3A = tpu.sem_alloc : memref<!tpu.dma_semaphore, #tpu.memory_space<semaphore_mem>>
      %dma_start3A = arith.constant 0 : i32
      %dma_start3A_33 = arith.constant 0 : i32
      %dma_start3A_34 = tpu.memref_slice %arg2[%add3A, %dma_start3A, %dma_start3A_33] : memref<32x3x128xf32, #tpu.memory_space<hbm>> -> memref<1x3x128xf32, #tpu.memory_space<hbm>>
      %dma_start3A_35 = tpu.memref_squeeze %dma_start3A_34 : memref<1x3x128xf32, #tpu.memory_space<hbm>> -> memref<3x128xf32, #tpu.memory_space<hbm>>
      %dma_start3A_36 = arith.constant 0 : i32
      %dma_start3A_37 = arith.constant 0 : i32
      %dma_start3A_38 = tpu.memref_slice %arg2[%add3A, %dma_start3A_36, %dma_start3A_37] : memref<32x3x128xf32, #tpu.memory_space<hbm>> -> memref<1x3x128xf32, #tpu.memory_space<hbm>>
      %dma_start3A_39 = tpu.memref_squeeze %dma_start3A_38 : memref<1x3x128xf32, #tpu.memory_space<hbm>> -> memref<3x128xf32, #tpu.memory_space<hbm>>
      tpu.enqueue_dma source(%dma_start3A_39 : memref<3x128xf32, #tpu.memory_space<hbm>>) target(%arg6 : memref<3x128xf32, #tpu.memory_space<vmem>>) target_semaphore(%run_scoped3A : memref<!tpu.dma_semaphore, #tpu.memory_space<semaphore_mem>>)
      %dma_wait3A = arith.constant 0 : i32
      %dma_wait3A_40 = arith.constant 0 : i32
      %dma_wait3A_41 = tpu.memref_slice %arg2[%add3A, %dma_wait3A, %dma_wait3A_40] : memref<32x3x128xf32, #tpu.memory_space<hbm>> -> memref<1x3x128xf32, #tpu.memory_space<hbm>>
      %dma_wait3A_42 = tpu.memref_squeeze %dma_wait3A_41 : memref<1x3x128xf32, #tpu.memory_space<hbm>> -> memref<3x128xf32, #tpu.memory_space<hbm>>
      %dma_wait3A_43 = arith.constant 0 : i32
      %dma_wait3A_44 = arith.constant 0 : i32
      %dma_wait3A_45 = tpu.memref_slice %arg2[%add3A, %dma_wait3A_43, %dma_wait3A_44] : memref<32x3x128xf32, #tpu.memory_space<hbm>> -> memref<1x3x128xf32, #tpu.memory_space<hbm>>
      %dma_wait3A_46 = tpu.memref_squeeze %dma_wait3A_45 : memref<1x3x128xf32, #tpu.memory_space<hbm>> -> memref<3x128xf32, #tpu.memory_space<hbm>>
      tpu.wait_dma2 semaphore(%run_scoped3A : memref<!tpu.dma_semaphore, #tpu.memory_space<semaphore_mem>>) src(%dma_wait3A_46 : memref<3x128xf32, #tpu.memory_space<hbm>>) dst(%arg6 : memref<3x128xf32, #tpu.memory_space<vmem>>)
      tpu.yield
    }) : () -> ()
    %iota3A = tpu.iota {dimensions = array<i32: 0>} : vector<16xi32>
    %broadcast_in_dim3A = arith.constant 1073741824 : i32
    %broadcast_in_dim3A_1 = vector.broadcast %broadcast_in_dim3A : i32 to vector<16xi32>
    %broadcast_in_dim3A_2 = arith.constant 0xFF800000 : f32
    %broadcast_in_dim3A_3 = vector.broadcast %broadcast_in_dim3A_2 : f32 to vector<16xf32>
    %broadcast_in_dim3A_4 = arith.constant 0 : i32
    %broadcast_in_dim3A_5 = vector.broadcast %broadcast_in_dim3A_4 : i32 to vector<16xi32>
    %xor3A = arith.constant 1 : i32
    %xor3A_6 = vector.broadcast %xor3A : i32 to vector<16xi32>
    %xor3A_7 = arith.xori %iota3A, %xor3A_6 : vector<16xi32>
    %xor3A_8 = arith.constant 2 : i32
    %xor3A_9 = vector.broadcast %xor3A_8 : i32 to vector<16xi32>
    %xor3A_10 = arith.xori %iota3A, %xor3A_9 : vector<16xi32>
    %xor3A_11 = arith.constant 4 : i32
    %xor3A_12 = vector.broadcast %xor3A_11 : i32 to vector<16xi32>
    %xor3A_13 = arith.xori %iota3A, %xor3A_12 : vector<16xi32>
    %xor3A_14 = arith.constant 8 : i32
    %xor3A_15 = vector.broadcast %xor3A_14 : i32 to vector<16xi32>
    %xor3A_16 = arith.xori %iota3A, %xor3A_15 : vector<16xi32>
    %scan3A = arith.constant 0 : i32
    %scan3A_17 = arith.constant 0 : i32
    %scan3A_18 = arith.constant 512 : i32
    %scan3A_19 = arith.addi %scan3A_17, %scan3A_18 : i32
    %scan3A_20 = arith.constant 1 : i32
    scf.for %scan3A_33 = %scan3A_17 to %scan3A_19 step %scan3A_20  : i32 {
      %mul3A_34 = arith.constant 16 : i32
      %mul3A_35 = arith.muli %scan3A_33, %mul3A_34 : i32
      %get3A = arith.constant 0 : i32
      %get3A_36 = arith.index_cast %get3A : i32 to index
      %get3A_37 = arith.index_cast %mul3A_35 : i32 to index
      %get3A_38 = tpu.vector_load %arg5[%get3A_36, %get3A_37] {strides = array<i32>} : memref<4x8192xf32, #tpu.memory_space<vmem>>, vector<1x16xf32>,
      %get3A_39 = vector.shape_cast %get3A_38 : vector<1x16xf32> to vector<16xf32>
      %mul3A_40 = arith.constant 16 : i32
      %mul3A_41 = arith.muli %scan3A_33, %mul3A_40 : i32
      %get3A_42 = arith.constant 1 : i32
      %get3A_43 = arith.index_cast %get3A_42 : i32 to index
      %get3A_44 = arith.index_cast %mul3A_41 : i32 to index
      %get3A_45 = tpu.vector_load %arg5[%get3A_43, %get3A_44] {strides = array<i32>} : memref<4x8192xf32, #tpu.memory_space<vmem>>, vector<1x16xf32>,
      %get3A_46 = vector.shape_cast %get3A_45 : vector<1x16xf32> to vector<16xf32>
      %mul3A_47 = arith.constant 16 : i32
      %mul3A_48 = arith.muli %scan3A_33, %mul3A_47 : i32
      %get3A_49 = arith.constant 2 : i32
      %get3A_50 = arith.index_cast %get3A_49 : i32 to index
      %get3A_51 = arith.index_cast %mul3A_48 : i32 to index
      %get3A_52 = tpu.vector_load %arg5[%get3A_50, %get3A_51] {strides = array<i32>} : memref<4x8192xf32, #tpu.memory_space<vmem>>, vector<1x16xf32>,
      %get3A_53 = vector.shape_cast %get3A_52 : vector<1x16xf32> to vector<16xf32>
      %mul3A_54 = arith.mulf %get3A_39, %get3A_39 : vector<16xf32>
      %mul3A_55 = arith.mulf %get3A_46, %get3A_46 : vector<16xf32>
      %add3A_56 = arith.addf %mul3A_54, %mul3A_55 : vector<16xf32>
      %mul3A_57 = arith.mulf %get3A_53, %get3A_53 : vector<16xf32>
      %add3A_58 = arith.addf %add3A_56, %mul3A_57 : vector<16xf32>
      %mul3A_59 = arith.constant -5.000000e-01 : f32
      %mul3A_60 = vector.broadcast %mul3A_59 : f32 to vector<16xf32>
      %mul3A_61 = arith.mulf %mul3A_60, %add3A_58 : vector<16xf32>
      %mul3A_62 = arith.constant 16 : i32
      %mul3A_63 = arith.muli %scan3A_33, %mul3A_62 : i32
      %swap3A_64 = arith.constant 3 : i32
      %swap3A_65 = arith.index_cast %swap3A_64 : i32 to index
      %swap3A_66 = arith.index_cast %mul3A_63 : i32 to index
      %swap3A_67 = tpu.vector_load %arg5[%swap3A_65, %swap3A_66] {strides = array<i32>} : memref<4x8192xf32, #tpu.memory_space<vmem>>, vector<1x16xf32>,
      %swap3A_68 = vector.shape_cast %swap3A_67 : vector<1x16xf32> to vector<16xf32>
      %swap3A_69 = vector.shape_cast %mul3A_61 : vector<16xf32> to vector<1x16xf32>
      tpu.vector_store %arg5[%swap3A_65, %swap3A_66], %swap3A_69 {strides = array<i32>} : memref<4x8192xf32, #tpu.memory_space<vmem>>, vector<1x16xf32>,
    }
    %scan3A_21 = arith.constant 512 : i32
    %broadcast_in_dim3A_22 = arith.constant 0.000000e+00 : f32
    %broadcast_in_dim3A_23 = vector.broadcast %broadcast_in_dim3A_22 : f32 to vector<16xf32>
    %scan3A_24 = arith.constant 0 : i32
    %scan3A_25 = arith.constant 8 : i32
    %scan3A_26 = arith.addi %scan3A_24, %scan3A_25 : i32
    %scan3A_27 = arith.constant 1 : i32
    %scan3A_28 = scf.for %scan3A_33 = %scan3A_24 to %scan3A_26 step %scan3A_27 iter_args(%scan3A_34 = %broadcast_in_dim3A_23) -> (vector<16xf32>)  : i32 {
      %mul3A_35 = arith.constant 16 : i32
      %mul3A_36 = arith.muli %scan3A_33, %mul3A_35 : i32
      %get3A = arith.constant 0 : i32
      %get3A_37 = arith.index_cast %get3A : i32 to index
      %get3A_38 = arith.index_cast %mul3A_36 : i32 to index
      %get3A_39 = tpu.vector_load %arg6[%get3A_37, %get3A_38] {strides = array<i32>} : memref<3x128xf32, #tpu.memory_space<vmem>>, vector<1x16xf32>,
      %get3A_40 = vector.shape_cast %get3A_39 : vector<1x16xf32> to vector<16xf32>
      %mul3A_41 = arith.constant 16 : i32
      %mul3A_42 = arith.muli %scan3A_33, %mul3A_41 : i32
      %get3A_43 = arith.constant 1 : i32
      %get3A_44 = arith.index_cast %get3A_43 : i32 to index
      %get3A_45 = arith.index_cast %mul3A_42 : i32 to index
      %get3A_46 = tpu.vector_load %arg6[%get3A_44, %get3A_45] {strides = array<i32>} : memref<3x128xf32, #tpu.memory_space<vmem>>, vector<1x16xf32>,
      %get3A_47 = vector.shape_cast %get3A_46 : vector<1x16xf32> to vector<16xf32>
      %mul3A_48 = arith.constant 16 : i32
      %mul3A_49 = arith.muli %scan3A_33, %mul3A_48 : i32
      %get3A_50 = arith.constant 2 : i32
      %get3A_51 = arith.index_cast %get3A_50 : i32 to index
      %get3A_52 = arith.index_cast %mul3A_49 : i32 to index
      %get3A_53 = tpu.vector_load %arg6[%get3A_51, %get3A_52] {strides = array<i32>} : memref<3x128xf32, #tpu.memory_space<vmem>>, vector<1x16xf32>,
      %get3A_54 = vector.shape_cast %get3A_53 : vector<1x16xf32> to vector<16xf32>
      %slice3A = vector.extract_strided_slice %get3A_40 {offsets = [0], sizes = [1], strides = [1]} : vector<16xf32> to vector<1xf32>
      %squeeze3A = vector.extract %slice3A[0] : f32 from vector<1xf32>
      %broadcast_in_dim3A_55 = vector.broadcast %squeeze3A : f32 to vector<16xf32>
      %slice3A_56 = vector.extract_strided_slice %get3A_47 {offsets = [0], sizes = [1], strides = [1]} : vector<16xf32> to vector<1xf32>
      %squeeze3A_57 = vector.extract %slice3A_56[0] : f32 from vector<1xf32>
      %broadcast_in_dim3A_58 = vector.broadcast %squeeze3A_57 : f32 to vector<16xf32>
      %slice3A_59 = vector.extract_strided_slice %get3A_54 {offsets = [0], sizes = [1], strides = [1]} : vector<16xf32> to vector<1xf32>
      %squeeze3A_60 = vector.extract %slice3A_59[0] : f32 from vector<1xf32>
      %broadcast_in_dim3A_61 = vector.broadcast %squeeze3A_60 : f32 to vector<16xf32>
      %slice3A_62 = vector.extract_strided_slice %get3A_40 {offsets = [1], sizes = [1], strides = [1]} : vector<16xf32> to vector<1xf32>
      %squeeze3A_63 = vector.extract %slice3A_62[0] : f32 from vector<1xf32>
      %broadcast_in_dim3A_64 = vector.broadcast %squeeze3A_63 : f32 to vector<16xf32>
      %slice3A_65 = vector.extract_strided_slice %get3A_47 {offsets = [1], sizes = [1], strides = [1]} : vector<16xf32> to vector<1xf32>
      %squeeze3A_66 = vector.extract %slice3A_65[0] : f32 from vector<1xf32>
      %broadcast_in_dim3A_67 = vector.broadcast %squeeze3A_66 : f32 to vector<16xf32>
      %slice3A_68 = vector.extract_strided_slice %get3A_54 {offsets = [1], sizes = [1], strides = [1]} : vector<16xf32> to vector<1xf32>
      %squeeze3A_69 = vector.extract %slice3A_68[0] : f32 from vector<1xf32>
      %broadcast_in_dim3A_70 = vector.broadcast %squeeze3A_69 : f32 to vector<16xf32>
      %slice3A_71 = vector.extract_strided_slice %get3A_40 {offsets = [2], sizes = [1], strides = [1]} : vector<16xf32> to vector<1xf32>
      %squeeze3A_72 = vector.extract %slice3A_71[0] : f32 from vector<1xf32>
      %broadcast_in_dim3A_73 = vector.broadcast %squeeze3A_72 : f32 to vector<16xf32>
      %slice3A_74 = vector.extract_strided_slice %get3A_47 {offsets = [2], sizes = [1], strides = [1]} : vector<16xf32> to vector<1xf32>
      %squeeze3A_75 = vector.extract %slice3A_74[0] : f32 from vector<1xf32>
      %broadcast_in_dim3A_76 = vector.broadcast %squeeze3A_75 : f32 to vector<16xf32>
      %slice3A_77 = vector.extract_strided_slice %get3A_54 {offsets = [2], sizes = [1], strides = [1]} : vector<16xf32> to vector<1xf32>
      %squeeze3A_78 = vector.extract %slice3A_77[0] : f32 from vector<1xf32>
      %broadcast_in_dim3A_79 = vector.broadcast %squeeze3A_78 : f32 to vector<16xf32>
      %slice3A_80 = vector.extract_strided_slice %get3A_40 {offsets = [3], sizes = [1], strides = [1]} : vector<16xf32> to vector<1xf32>
      %squeeze3A_81 = vector.extract %slice3A_80[0] : f32 from vector<1xf32>
      %broadcast_in_dim3A_82 = vector.broadcast %squeeze3A_81 : f32 to vector<16xf32>
      %slice3A_83 = vector.extract_strided_slice %get3A_47 {offsets = [3], sizes = [1], strides = [1]} : vector<16xf32> to vector<1xf32>
      %squeeze3A_84 = vector.extract %slice3A_83[0] : f32 from vector<1xf32>
      %broadcast_in_dim3A_85 = vector.broadcast %squeeze3A_84 : f32 to vector<16xf32>
      %slice3A_86 = vector.extract_strided_slice %get3A_54 {offsets = [3], sizes = [1], strides = [1]} : vector<16xf32> to vector<1xf32>
      %squeeze3A_87 = vector.extract %slice3A_86[0] : f32 from vector<1xf32>
      %broadcast_in_dim3A_88 = vector.broadcast %squeeze3A_87 : f32 to vector<16xf32>
      %slice3A_89 = vector.extract_strided_slice %get3A_40 {offsets = [4], sizes = [1], strides = [1]} : vector<16xf32> to vector<1xf32>
      %squeeze3A_90 = vector.extract %slice3A_89[0] : f32 from vector<1xf32>
      %broadcast_in_dim3A_91 = vector.broadcast %squeeze3A_90 : f32 to vector<16xf32>
      %slice3A_92 = vector.extract_strided_slice %get3A_47 {offsets = [4], sizes = [1], strides = [1]} : vector<16xf32> to vector<1xf32>
      %squeeze3A_93 = vector.extract %slice3A_92[0] : f32 from vector<1xf32>
      %broadcast_in_dim3A_94 = vector.broadcast %squeeze3A_93 : f32 to vector<16xf32>
      %slice3A_95 = vector.extract_strided_slice %get3A_54 {offsets = [4], sizes = [1], strides = [1]} : vector<16xf32> to vector<1xf32>
      %squeeze3A_96 = vector.extract %slice3A_95[0] : f32 from vector<1xf32>
      %broadcast_in_dim3A_97 = vector.broadcast %squeeze3A_96 : f32 to vector<16xf32>
      %slice3A_98 = vector.extract_strided_slice %get3A_40 {offsets = [5], sizes = [1], strides = [1]} : vector<16xf32> to vector<1xf32>
      %squeeze3A_99 = vector.extract %slice3A_98[0] : f32 from vector<1xf32>
      %broadcast_in_dim3A_100 = vector.broadcast %squeeze3A_99 : f32 to vector<16xf32>
      %slice3A_101 = vector.extract_strided_slice %get3A_47 {offsets = [5], sizes = [1], strides = [1]} : vector<16xf32> to vector<1xf32>
      %squeeze3A_102 = vector.extract %slice3A_101[0] : f32 from vector<1xf32>
      %broadcast_in_dim3A_103 = vector.broadcast %squeeze3A_102 : f32 to vector<16xf32>
      %slice3A_104 = vector.extract_strided_slice %get3A_54 {offsets = [5], sizes = [1], strides = [1]} : vector<16xf32> to vector<1xf32>
      %squeeze3A_105 = vector.extract %slice3A_104[0] : f32 from vector<1xf32>
      %broadcast_in_dim3A_106 = vector.broadcast %squeeze3A_105 : f32 to vector<16xf32>
      %slice3A_107 = vector.extract_strided_slice %get3A_40 {offsets = [6], sizes = [1], strides = [1]} : vector<16xf32> to vector<1xf32>
      %squeeze3A_108 = vector.extract %slice3A_107[0] : f32 from vector<1xf32>
      %broadcast_in_dim3A_109 = vector.broadcast %squeeze3A_108 : f32 to vector<16xf32>
      %slice3A_110 = vector.extract_strided_slice %get3A_47 {offsets = [6], sizes = [1], strides = [1]} : vector<16xf32> to vector<1xf32>
      %squeeze3A_111 = vector.extract %slice3A_110[0] : f32 from vector<1xf32>
      %broadcast_in_dim3A_112 = vector.broadcast %squeeze3A_111 : f32 to vector<16xf32>
      %slice3A_113 = vector.extract_strided_slice %get3A_54 {offsets = [6], sizes = [1], strides = [1]} : vector<16xf32> to vector<1xf32>
      %squeeze3A_114 = vector.extract %slice3A_113[0] : f32 from vector<1xf32>
      %broadcast_in_dim3A_115 = vector.broadcast %squeeze3A_114 : f32 to vector<16xf32>
      %slice3A_116 = vector.extract_strided_slice %get3A_40 {offsets = [7], sizes = [1], strides = [1]} : vector<16xf32> to vector<1xf32>
      %squeeze3A_117 = vector.extract %slice3A_116[0] : f32 from vector<1xf32>
      %broadcast_in_dim3A_118 = vector.broadcast %squeeze3A_117 : f32 to vector<16xf32>
      %slice3A_119 = vector.extract_strided_slice %get3A_47 {offsets = [7], sizes = [1], strides = [1]} : vector<16xf32> to vector<1xf32>
      %squeeze3A_120 = vector.extract %slice3A_119[0] : f32 from vector<1xf32>
      %broadcast_in_dim3A_121 = vector.broadcast %squeeze3A_120 : f32 to vector<16xf32>
      %slice3A_122 = vector.extract_strided_slice %get3A_54 {offsets = [7], sizes = [1], strides = [1]} : vector<16xf32> to vector<1xf32>
      %squeeze3A_123 = vector.extract %slice3A_122[0] : f32 from vector<1xf32>
      %broadcast_in_dim3A_124 = vector.broadcast %squeeze3A_123 : f32 to vector<16xf32>
      %scan3A_125 = arith.constant 0 : i32
      %scan3A_126 = arith.constant 512 : i32
      %scan3A_127 = arith.addi %scan3A_125, %scan3A_126 : i32
      %scan3A_128 = arith.constant 1 : i32
      %scan3A_129:16 = scf.for %scan3A_779 = %scan3A_125 to %scan3A_127 step %scan3A_128 iter_args(%scan3A_780 = %broadcast_in_dim3A_3, %scan3A_781 = %broadcast_in_dim3A_3, %scan3A_782 = %broadcast_in_dim3A_3, %scan3A_783 = %broadcast_in_dim3A_3, %scan3A_784 = %broadcast_in_dim3A_3, %scan3A_785 = %broadcast_in_dim3A_3, %scan3A_786 = %broadcast_in_dim3A_3, %scan3A_787 = %broadcast_in_dim3A_3, %scan3A_788 = %broadcast_in_dim3A_5, %scan3A_789 = %broadcast_in_dim3A_5, %scan3A_790 = %broadcast_in_dim3A_5, %scan3A_791 = %broadcast_in_dim3A_5, %scan3A_792 = %broadcast_in_dim3A_5, %scan3A_793 = %broadcast_in_dim3A_5, %scan3A_794 = %broadcast_in_dim3A_5, %scan3A_795 = %broadcast_in_dim3A_5) -> (vector<16xf32>, vector<16xf32>, vector<16xf32>, vector<16xf32>, vector<16xf32>, vector<16xf32>, vector<16xf32>, vector<16xf32>, vector<16xi32>, vector<16xi32>, vector<16xi32>, vector<16xi32>, vector<16xi32>, vector<16xi32>, vector<16xi32>, vector<16xi32>)  : i32 {
        %mul3A_796 = arith.constant 16 : i32
        %mul3A_797 = arith.muli %scan3A_779, %mul3A_796 : i32
        %get3A_798 = arith.constant 0 : i32
        %get3A_799 = arith.index_cast %get3A_798 : i32 to index
        %get3A_800 = arith.index_cast %mul3A_797 : i32 to index
        %get3A_801 = tpu.vector_load %arg5[%get3A_799, %get3A_800] {strides = array<i32>} : memref<4x8192xf32, #tpu.memory_space<vmem>>, vector<1x16xf32>,
        %get3A_802 = vector.shape_cast %get3A_801 : vector<1x16xf32> to vector<16xf32>
        %get3A_803 = arith.constant 1 : i32
        %get3A_804 = arith.index_cast %get3A_803 : i32 to index
        %get3A_805 = arith.index_cast %mul3A_797 : i32 to index
        %get3A_806 = tpu.vector_load %arg5[%get3A_804, %get3A_805] {strides = array<i32>} : memref<4x8192xf32, #tpu.memory_space<vmem>>, vector<1x16xf32>,
        %get3A_807 = vector.shape_cast %get3A_806 : vector<1x16xf32> to vector<16xf32>
        %get3A_808 = arith.constant 2 : i32
        %get3A_809 = arith.index_cast %get3A_808 : i32 to index
        %get3A_810 = arith.index_cast %mul3A_797 : i32 to index
        %get3A_811 = tpu.vector_load %arg5[%get3A_809, %get3A_810] {strides = array<i32>} : memref<4x8192xf32, #tpu.memory_space<vmem>>, vector<1x16xf32>,
        %get3A_812 = vector.shape_cast %get3A_811 : vector<1x16xf32> to vector<16xf32>
        %get3A_813 = arith.constant 3 : i32
        %get3A_814 = arith.index_cast %get3A_813 : i32 to index
        %get3A_815 = arith.index_cast %mul3A_797 : i32 to index
        %get3A_816 = tpu.vector_load %arg5[%get3A_814, %get3A_815] {strides = array<i32>} : memref<4x8192xf32, #tpu.memory_space<vmem>>, vector<1x16xf32>,
        %get3A_817 = vector.shape_cast %get3A_816 : vector<1x16xf32> to vector<16xf32>
        %add3A_818 = vector.broadcast %mul3A_797 : i32 to vector<16xi32>
        %add3A_819 = arith.addi %iota3A, %add3A_818 : vector<16xi32>
        %mul3A_820 = arith.mulf %broadcast_in_dim3A_55, %get3A_802 : vector<16xf32>
        %add3A_821 = arith.addf %mul3A_820, %get3A_817 : vector<16xf32>
        %mul3A_822 = arith.mulf %broadcast_in_dim3A_58, %get3A_807 : vector<16xf32>
        %add3A_823 = arith.addf %add3A_821, %mul3A_822 : vector<16xf32>
        %mul3A_824 = arith.mulf %broadcast_in_dim3A_61, %get3A_812 : vector<16xf32>
        %add3A_825 = arith.addf %add3A_823, %mul3A_824 : vector<16xf32>
        %gt3A = arith.cmpf ogt, %add3A_825, %scan3A_780 : vector<16xf32>
        %select_n3A_826 = arith.select %gt3A, %add3A_825, %scan3A_780 : vector<16xi1>, vector<16xf32>
        %select_n3A_827 = arith.select %gt3A, %add3A_819, %scan3A_788 : vector<16xi1>, vector<16xi32>
        %mul3A_828 = arith.mulf %broadcast_in_dim3A_64, %get3A_802 : vector<16xf32>
        %add3A_829 = arith.addf %mul3A_828, %get3A_817 : vector<16xf32>
        %mul3A_830 = arith.mulf %broadcast_in_dim3A_67, %get3A_807 : vector<16xf32>
        %add3A_831 = arith.addf %add3A_829, %mul3A_830 : vector<16xf32>
        %mul3A_832 = arith.mulf %broadcast_in_dim3A_70, %get3A_812 : vector<16xf32>
        %add3A_833 = arith.addf %add3A_831, %mul3A_832 : vector<16xf32>
        %gt3A_834 = arith.cmpf ogt, %add3A_833, %scan3A_781 : vector<16xf32>
        %select_n3A_835 = arith.select %gt3A_834, %add3A_833, %scan3A_781 : vector<16xi1>, vector<16xf32>
        %select_n3A_836 = arith.select %gt3A_834, %add3A_819, %scan3A_789 : vector<16xi1>, vector<16xi32>
        %mul3A_837 = arith.mulf %broadcast_in_dim3A_73, %get3A_802 : vector<16xf32>
        %add3A_838 = arith.addf %mul3A_837, %get3A_817 : vector<16xf32>
        %mul3A_839 = arith.mulf %broadcast_in_dim3A_76, %get3A_807 : vector<16xf32>
        %add3A_840 = arith.addf %add3A_838, %mul3A_839 : vector<16xf32>
        %mul3A_841 = arith.mulf %broadcast_in_dim3A_79, %get3A_812 : vector<16xf32>
        %add3A_842 = arith.addf %add3A_840, %mul3A_841 : vector<16xf32>
        %gt3A_843 = arith.cmpf ogt, %add3A_842, %scan3A_782 : vector<16xf32>
        %select_n3A_844 = arith.select %gt3A_843, %add3A_842, %scan3A_782 : vector<16xi1>, vector<16xf32>
        %select_n3A_845 = arith.select %gt3A_843, %add3A_819, %scan3A_790 : vector<16xi1>, vector<16xi32>
        %mul3A_846 = arith.mulf %broadcast_in_dim3A_82, %get3A_802 : vector<16xf32>
        %add3A_847 = arith.addf %mul3A_846, %get3A_817 : vector<16xf32>
        %mul3A_848 = arith.mulf %broadcast_in_dim3A_85, %get3A_807 : vector<16xf32>
        %add3A_849 = arith.addf %add3A_847, %mul3A_848 : vector<16xf32>
        %mul3A_850 = arith.mulf %broadcast_in_dim3A_88, %get3A_812 : vector<16xf32>
        %add3A_851 = arith.addf %add3A_849, %mul3A_850 : vector<16xf32>
        %gt3A_852 = arith.cmpf ogt, %add3A_851, %scan3A_783 : vector<16xf32>
        %select_n3A_853 = arith.select %gt3A_852, %add3A_851, %scan3A_783 : vector<16xi1>, vector<16xf32>
        %select_n3A_854 = arith.select %gt3A_852, %add3A_819, %scan3A_791 : vector<16xi1>, vector<16xi32>
        %mul3A_855 = arith.mulf %broadcast_in_dim3A_91, %get3A_802 : vector<16xf32>
        %add3A_856 = arith.addf %mul3A_855, %get3A_817 : vector<16xf32>
        %mul3A_857 = arith.mulf %broadcast_in_dim3A_94, %get3A_807 : vector<16xf32>
        %add3A_858 = arith.addf %add3A_856, %mul3A_857 : vector<16xf32>
        %mul3A_859 = arith.mulf %broadcast_in_dim3A_97, %get3A_812 : vector<16xf32>
        %add3A_860 = arith.addf %add3A_858, %mul3A_859 : vector<16xf32>
        %gt3A_861 = arith.cmpf ogt, %add3A_860, %scan3A_784 : vector<16xf32>
        %select_n3A_862 = arith.select %gt3A_861, %add3A_860, %scan3A_784 : vector<16xi1>, vector<16xf32>
        %select_n3A_863 = arith.select %gt3A_861, %add3A_819, %scan3A_792 : vector<16xi1>, vector<16xi32>
        %mul3A_864 = arith.mulf %broadcast_in_dim3A_100, %get3A_802 : vector<16xf32>
        %add3A_865 = arith.addf %mul3A_864, %get3A_817 : vector<16xf32>
        %mul3A_866 = arith.mulf %broadcast_in_dim3A_103, %get3A_807 : vector<16xf32>
        %add3A_867 = arith.addf %add3A_865, %mul3A_866 : vector<16xf32>
        %mul3A_868 = arith.mulf %broadcast_in_dim3A_106, %get3A_812 : vector<16xf32>
        %add3A_869 = arith.addf %add3A_867, %mul3A_868 : vector<16xf32>
        %gt3A_870 = arith.cmpf ogt, %add3A_869, %scan3A_785 : vector<16xf32>
        %select_n3A_871 = arith.select %gt3A_870, %add3A_869, %scan3A_785 : vector<16xi1>, vector<16xf32>
        %select_n3A_872 = arith.select %gt3A_870, %add3A_819, %scan3A_793 : vector<16xi1>, vector<16xi32>
        %mul3A_873 = arith.mulf %broadcast_in_dim3A_109, %get3A_802 : vector<16xf32>
        %add3A_874 = arith.addf %mul3A_873, %get3A_817 : vector<16xf32>
        %mul3A_875 = arith.mulf %broadcast_in_dim3A_112, %get3A_807 : vector<16xf32>
        %add3A_876 = arith.addf %add3A_874, %mul3A_875 : vector<16xf32>
        %mul3A_877 = arith.mulf %broadcast_in_dim3A_115, %get3A_812 : vector<16xf32>
        %add3A_878 = arith.addf %add3A_876, %mul3A_877 : vector<16xf32>
        %gt3A_879 = arith.cmpf ogt, %add3A_878, %scan3A_786 : vector<16xf32>
        %select_n3A_880 = arith.select %gt3A_879, %add3A_878, %scan3A_786 : vector<16xi1>, vector<16xf32>
        %select_n3A_881 = arith.select %gt3A_879, %add3A_819, %scan3A_794 : vector<16xi1>, vector<16xi32>
        %mul3A_882 = arith.mulf %broadcast_in_dim3A_118, %get3A_802 : vector<16xf32>
        %add3A_883 = arith.addf %mul3A_882, %get3A_817 : vector<16xf32>
        %mul3A_884 = arith.mulf %broadcast_in_dim3A_121, %get3A_807 : vector<16xf32>
        %add3A_885 = arith.addf %add3A_883, %mul3A_884 : vector<16xf32>
        %mul3A_886 = arith.mulf %broadcast_in_dim3A_124, %get3A_812 : vector<16xf32>
        %add3A_887 = arith.addf %add3A_885, %mul3A_886 : vector<16xf32>
        %gt3A_888 = arith.cmpf ogt, %add3A_887, %scan3A_787 : vector<16xf32>
        %select_n3A_889 = arith.select %gt3A_888, %add3A_887, %scan3A_787 : vector<16xi1>, vector<16xf32>
        %select_n3A_890 = arith.select %gt3A_888, %add3A_819, %scan3A_795 : vector<16xi1>, vector<16xi32>
        scf.yield %select_n3A_826, %select_n3A_835, %select_n3A_844, %select_n3A_853, %select_n3A_862, %select_n3A_871, %select_n3A_880, %select_n3A_889, %select_n3A_827, %select_n3A_836, %select_n3A_845, %select_n3A_854, %select_n3A_863, %select_n3A_872, %select_n3A_881, %select_n3A_890 : vector<16xf32>, vector<16xf32>, vector<16xf32>, vector<16xf32>, vector<16xf32>, vector<16xf32>, vector<16xf32>, vector<16xf32>, vector<16xi32>, vector<16xi32>, vector<16xi32>, vector<16xi32>, vector<16xi32>, vector<16xi32>, vector<16xi32>, vector<16xi32>
      }
      %scan3A_130 = arith.constant 512 : i32
      %broadcast_in_dim3A_131 = vector.shape_cast %xor3A_7 : vector<16xi32> to vector<16x1xi32>
      %gather3A = vector.shape_cast %broadcast_in_dim3A_131 : vector<16x1xi32> to vector<16xi32>
      %gather3A_132 = tpu.dynamic_gather %scan3A_129#0[%gather3A] in [0] : vector<16xf32>, vector<16xi32> -> vector<16xf32>
      %max3A = arith.maximumf %scan3A_129#0, %gather3A_132 : vector<16xf32>
      %broadcast_in_dim3A_133 = vector.shape_cast %xor3A_10 : vector<16xi32> to vector<16x1xi32>
      %gather3A_134 = vector.shape_cast %broadcast_in_dim3A_133 : vector<16x1xi32> to vector<16xi32>
      %gather3A_135 = tpu.dynamic_gather %max3A[%gather3A_134] in [0] : vector<16xf32>, vector<16xi32> -> vector<16xf32>
      %max3A_136 = arith.maximumf %max3A, %gather3A_135 : vector<16xf32>
      %broadcast_in_dim3A_137 = vector.shape_cast %xor3A_13 : vector<16xi32> to vector<16x1xi32>
      %gather3A_138 = vector.shape_cast %broadcast_in_dim3A_137 : vector<16x1xi32> to vector<16xi32>
      %gather3A_139 = tpu.dynamic_gather %max3A_136[%gather3A_138] in [0] : vector<16xf32>, vector<16xi32> -> vector<16xf32>
      %max3A_140 = arith.maximumf %max3A_136, %gather3A_139 : vector<16xf32>
      %broadcast_in_dim3A_141 = vector.shape_cast %xor3A_16 : vector<16xi32> to vector<16x1xi32>
      %gather3A_142 = vector.shape_cast %broadcast_in_dim3A_141 : vector<16x1xi32> to vector<16xi32>
      %gather3A_143 = tpu.dynamic_gather %max3A_140[%gather3A_142] in [0] : vector<16xf32>, vector<16xi32> -> vector<16xf32>
      %max3A_144 = arith.maximumf %max3A_140, %gather3A_143 : vector<16xf32>
      %eq3A = arith.cmpf oeq, %scan3A_129#0, %max3A_144 : vector<16xf32>
      %select_n3A = arith.select %eq3A, %scan3A_129#8, %broadcast_in_dim3A_1 : vector<16xi1>, vector<16xi32>
      %broadcast_in_dim3A_145 = vector.shape_cast %xor3A_7 : vector<16xi32> to vector<16x1xi32>
      %gather3A_146 = vector.shape_cast %broadcast_in_dim3A_145 : vector<16x1xi32> to vector<16xi32>
      %gather3A_147 = tpu.dynamic_gather %select_n3A[%gather3A_146] in [0] : vector<16xi32>, vector<16xi32> -> vector<16xi32>
      %min3A = arith.minsi %select_n3A, %gather3A_147 : vector<16xi32>
      %broadcast_in_dim3A_148 = vector.shape_cast %xor3A_10 : vector<16xi32> to vector<16x1xi32>
      %gather3A_149 = vector.shape_cast %broadcast_in_dim3A_148 : vector<16x1xi32> to vector<16xi32>
      %gather3A_150 = tpu.dynamic_gather %min3A[%gather3A_149] in [0] : vector<16xi32>, vector<16xi32> -> vector<16xi32>
      %min3A_151 = arith.minsi %min3A, %gather3A_150 : vector<16xi32>
      %broadcast_in_dim3A_152 = vector.shape_cast %xor3A_13 : vector<16xi32> to vector<16x1xi32>
      %gather3A_153 = vector.shape_cast %broadcast_in_dim3A_152 : vector<16x1xi32> to vector<16xi32>
      %gather3A_154 = tpu.dynamic_gather %min3A_151[%gather3A_153] in [0] : vector<16xi32>, vector<16xi32> -> vector<16xi32>
      %min3A_155 = arith.minsi %min3A_151, %gather3A_154 : vector<16xi32>
      %broadcast_in_dim3A_156 = vector.shape_cast %xor3A_16 : vector<16xi32> to vector<16x1xi32>
      %gather3A_157 = vector.shape_cast %broadcast_in_dim3A_156 : vector<16x1xi32> to vector<16xi32>
      %gather3A_158 = tpu.dynamic_gather %min3A_155[%gather3A_157] in [0] : vector<16xi32>, vector<16xi32> -> vector<16xi32>
      %min3A_159 = arith.minsi %min3A_155, %gather3A_158 : vector<16xi32>
      %convert_element_type3A = arith.sitofp %min3A_159 : vector<16xi32> to vector<16xf32>
      %add3A_160 = arith.addf %scan3A_34, %convert_element_type3A : vector<16xf32>
      %broadcast_in_dim3A_161 = vector.shape_cast %xor3A_7 : vector<16xi32> to vector<16x1xi32>
      %gather3A_162 = vector.shape_cast %broadcast_in_dim3A_161 : vector<16x1xi32> to vector<16xi32>
      %gather3A_163 = tpu.dynamic_gather %scan3A_129#1[%gather3A_162] in [0] : vector<16xf32>, vector<16xi32> -> vector<16xf32>
      %max3A_164 = arith.maximumf %scan3A_129#1, %gather3A_163 : vector<16xf32>
      %broadcast_in_dim3A_165 = vector.shape_cast %xor3A_10 : vector<16xi32> to vector<16x1xi32>
      %gather3A_166 = vector.shape_cast %broadcast_in_dim3A_165 : vector<16x1xi32> to vector<16xi32>
      %gather3A_167 = tpu.dynamic_gather %max3A_164[%gather3A_166] in [0] : vector<16xf32>, vector<16xi32> -> vector<16xf32>
      %max3A_168 = arith.maximumf %max3A_164, %gather3A_167 : vector<16xf32>
      %broadcast_in_dim3A_169 = vector.shape_cast %xor3A_13 : vector<16xi32> to vector<16x1xi32>
      %gather3A_170 = vector.shape_cast %broadcast_in_dim3A_169 : vector<16x1xi32> to vector<16xi32>
      %gather3A_171 = tpu.dynamic_gather %max3A_168[%gather3A_170] in [0] : vector<16xf32>, vector<16xi32> -> vector<16xf32>
      %max3A_172 = arith.maximumf %max3A_168, %gather3A_171 : vector<16xf32>
      %broadcast_in_dim3A_173 = vector.shape_cast %xor3A_16 : vector<16xi32> to vector<16x1xi32>
      %gather3A_174 = vector.shape_cast %broadcast_in_dim3A_173 : vector<16x1xi32> to vector<16xi32>
      %gather3A_175 = tpu.dynamic_gather %max3A_172[%gather3A_174] in [0] : vector<16xf32>, vector<16xi32> -> vector<16xf32>
      %max3A_176 = arith.maximumf %max3A_172, %gather3A_175 : vector<16xf32>
      %eq3A_177 = arith.cmpf oeq, %scan3A_129#1, %max3A_176 : vector<16xf32>
      %select_n3A_178 = arith.select %eq3A_177, %scan3A_129#9, %broadcast_in_dim3A_1 : vector<16xi1>, vector<16xi32>
      %broadcast_in_dim3A_179 = vector.shape_cast %xor3A_7 : vector<16xi32> to vector<16x1xi32>
      %gather3A_180 = vector.shape_cast %broadcast_in_dim3A_179 : vector<16x1xi32> to vector<16xi32>
      %gather3A_181 = tpu.dynamic_gather %select_n3A_178[%gather3A_180] in [0] : vector<16xi32>, vector<16xi32> -> vector<16xi32>
      %min3A_182 = arith.minsi %select_n3A_178, %gather3A_181 : vector<16xi32>
      %broadcast_in_dim3A_183 = vector.shape_cast %xor3A_10 : vector<16xi32> to vector<16x1xi32>
      %gather3A_184 = vector.shape_cast %broadcast_in_dim3A_183 : vector<16x1xi32> to vector<16xi32>
      %gather3A_185 = tpu.dynamic_gather %min3A_182[%gather3A_184] in [0] : vector<16xi32>, vector<16xi32> -> vector<16xi32>
      %min3A_186 = arith.minsi %min3A_182, %gather3A_185 : vector<16xi32>
      %broadcast_in_dim3A_187 = vector.shape_cast %xor3A_13 : vector<16xi32> to vector<16x1xi32>
      %gather3A_188 = vector.shape_cast %broadcast_in_dim3A_187 : vector<16x1xi32> to vector<16xi32>
      %gather3A_189 = tpu.dynamic_gather %min3A_186[%gather3A_188] in [0] : vector<16xi32>, vector<16xi32> -> vector<16xi32>
      %min3A_190 = arith.minsi %min3A_186, %gather3A_189 : vector<16xi32>
      %broadcast_in_dim3A_191 = vector.shape_cast %xor3A_16 : vector<16xi32> to vector<16x1xi32>
      %gather3A_192 = vector.shape_cast %broadcast_in_dim3A_191 : vector<16x1xi32> to vector<16xi32>
      %gather3A_193 = tpu.dynamic_gather %min3A_190[%gather3A_192] in [0] : vector<16xi32>, vector<16xi32> -> vector<16xi32>
      %min3A_194 = arith.minsi %min3A_190, %gather3A_193 : vector<16xi32>
      %convert_element_type3A_195 = arith.sitofp %min3A_194 : vector<16xi32> to vector<16xf32>
      %add3A_196 = arith.addf %add3A_160, %convert_element_type3A_195 : vector<16xf32>
      %broadcast_in_dim3A_197 = vector.shape_cast %xor3A_7 : vector<16xi32> to vector<16x1xi32>
      %gather3A_198 = vector.shape_cast %broadcast_in_dim3A_197 : vector<16x1xi32> to vector<16xi32>
      %gather3A_199 = tpu.dynamic_gather %scan3A_129#2[%gather3A_198] in [0] : vector<16xf32>, vector<16xi32> -> vector<16xf32>
      %max3A_200 = arith.maximumf %scan3A_129#2, %gather3A_199 : vector<16xf32>
      %broadcast_in_dim3A_201 = vector.shape_cast %xor3A_10 : vector<16xi32> to vector<16x1xi32>
      %gather3A_202 = vector.shape_cast %broadcast_in_dim3A_201 : vector<16x1xi32> to vector<16xi32>
      %gather3A_203 = tpu.dynamic_gather %max3A_200[%gather3A_202] in [0] : vector<16xf32>, vector<16xi32> -> vector<16xf32>
      %max3A_204 = arith.maximumf %max3A_200, %gather3A_203 : vector<16xf32>
      %broadcast_in_dim3A_205 = vector.shape_cast %xor3A_13 : vector<16xi32> to vector<16x1xi32>
      %gather3A_206 = vector.shape_cast %broadcast_in_dim3A_205 : vector<16x1xi32> to vector<16xi32>
      %gather3A_207 = tpu.dynamic_gather %max3A_204[%gather3A_206] in [0] : vector<16xf32>, vector<16xi32> -> vector<16xf32>
      %max3A_208 = arith.maximumf %max3A_204, %gather3A_207 : vector<16xf32>
      %broadcast_in_dim3A_209 = vector.shape_cast %xor3A_16 : vector<16xi32> to vector<16x1xi32>
      %gather3A_210 = vector.shape_cast %broadcast_in_dim3A_209 : vector<16x1xi32> to vector<16xi32>
      %gather3A_211 = tpu.dynamic_gather %max3A_208[%gather3A_210] in [0] : vector<16xf32>, vector<16xi32> -> vector<16xf32>
      %max3A_212 = arith.maximumf %max3A_208, %gather3A_211 : vector<16xf32>
      %eq3A_213 = arith.cmpf oeq, %scan3A_129#2, %max3A_212 : vector<16xf32>
      %select_n3A_214 = arith.select %eq3A_213, %scan3A_129#10, %broadcast_in_dim3A_1 : vector<16xi1>, vector<16xi32>
      %broadcast_in_dim3A_215 = vector.shape_cast %xor3A_7 : vector<16xi32> to vector<16x1xi32>
      %gather3A_216 = vector.shape_cast %broadcast_in_dim3A_215 : vector<16x1xi32> to vector<16xi32>
      %gather3A_217 = tpu.dynamic_gather %select_n3A_214[%gather3A_216] in [0] : vector<16xi32>, vector<16xi32> -> vector<16xi32>
      %min3A_218 = arith.minsi %select_n3A_214, %gather3A_217 : vector<16xi32>
      %broadcast_in_dim3A_219 = vector.shape_cast %xor3A_10 : vector<16xi32> to vector<16x1xi32>
      %gather3A_220 = vector.shape_cast %broadcast_in_dim3A_219 : vector<16x1xi32> to vector<16xi32>
      %gather3A_221 = tpu.dynamic_gather %min3A_218[%gather3A_220] in [0] : vector<16xi32>, vector<16xi32> -> vector<16xi32>
      %min3A_222 = arith.minsi %min3A_218, %gather3A_221 : vector<16xi32>
      %broadcast_in_dim3A_223 = vector.shape_cast %xor3A_13 : vector<16xi32> to vector<16x1xi32>
      %gather3A_224 = vector.shape_cast %broadcast_in_dim3A_223 : vector<16x1xi32> to vector<16xi32>
      %gather3A_225 = tpu.dynamic_gather %min3A_222[%gather3A_224] in [0] : vector<16xi32>, vector<16xi32> -> vector<16xi32>
      %min3A_226 = arith.minsi %min3A_222, %gather3A_225 : vector<16xi32>
      %broadcast_in_dim3A_227 = vector.shape_cast %xor3A_16 : vector<16xi32> to vector<16x1xi32>
      %gather3A_228 = vector.shape_cast %broadcast_in_dim3A_227 : vector<16x1xi32> to vector<16xi32>
      %gather3A_229 = tpu.dynamic_gather %min3A_226[%gather3A_228] in [0] : vector<16xi32>, vector<16xi32> -> vector<16xi32>
      %min3A_230 = arith.minsi %min3A_226, %gather3A_229 : vector<16xi32>
      %convert_element_type3A_231 = arith.sitofp %min3A_230 : vector<16xi32> to vector<16xf32>
      %add3A_232 = arith.addf %add3A_196, %convert_element_type3A_231 : vector<16xf32>
      %broadcast_in_dim3A_233 = vector.shape_cast %xor3A_7 : vector<16xi32> to vector<16x1xi32>
      %gather3A_234 = vector.shape_cast %broadcast_in_dim3A_233 : vector<16x1xi32> to vector<16xi32>
      %gather3A_235 = tpu.dynamic_gather %scan3A_129#3[%gather3A_234] in [0] : vector<16xf32>, vector<16xi32> -> vector<16xf32>
      %max3A_236 = arith.maximumf %scan3A_129#3, %gather3A_235 : vector<16xf32>
      %broadcast_in_dim3A_237 = vector.shape_cast %xor3A_10 : vector<16xi32> to vector<16x1xi32>
      %gather3A_238 = vector.shape_cast %broadcast_in_dim3A_237 : vector<16x1xi32> to vector<16xi32>
      %gather3A_239 = tpu.dynamic_gather %max3A_236[%gather3A_238] in [0] : vector<16xf32>, vector<16xi32> -> vector<16xf32>
      %max3A_240 = arith.maximumf %max3A_236, %gather3A_239 : vector<16xf32>
      %broadcast_in_dim3A_241 = vector.shape_cast %xor3A_13 : vector<16xi32> to vector<16x1xi32>
      %gather3A_242 = vector.shape_cast %broadcast_in_dim3A_241 : vector<16x1xi32> to vector<16xi32>
      %gather3A_243 = tpu.dynamic_gather %max3A_240[%gather3A_242] in [0] : vector<16xf32>, vector<16xi32> -> vector<16xf32>
      %max3A_244 = arith.maximumf %max3A_240, %gather3A_243 : vector<16xf32>
      %broadcast_in_dim3A_245 = vector.shape_cast %xor3A_16 : vector<16xi32> to vector<16x1xi32>
      %gather3A_246 = vector.shape_cast %broadcast_in_dim3A_245 : vector<16x1xi32> to vector<16xi32>
      %gather3A_247 = tpu.dynamic_gather %max3A_244[%gather3A_246] in [0] : vector<16xf32>, vector<16xi32> -> vector<16xf32>
      %max3A_248 = arith.maximumf %max3A_244, %gather3A_247 : vector<16xf32>
      %eq3A_249 = arith.cmpf oeq, %scan3A_129#3, %max3A_248 : vector<16xf32>
      %select_n3A_250 = arith.select %eq3A_249, %scan3A_129#11, %broadcast_in_dim3A_1 : vector<16xi1>, vector<16xi32>
      %broadcast_in_dim3A_251 = vector.shape_cast %xor3A_7 : vector<16xi32> to vector<16x1xi32>
      %gather3A_252 = vector.shape_cast %broadcast_in_dim3A_251 : vector<16x1xi32> to vector<16xi32>
      %gather3A_253 = tpu.dynamic_gather %select_n3A_250[%gather3A_252] in [0] : vector<16xi32>, vector<16xi32> -> vector<16xi32>
      %min3A_254 = arith.minsi %select_n3A_250, %gather3A_253 : vector<16xi32>
      %broadcast_in_dim3A_255 = vector.shape_cast %xor3A_10 : vector<16xi32> to vector<16x1xi32>
      %gather3A_256 = vector.shape_cast %broadcast_in_dim3A_255 : vector<16x1xi32> to vector<16xi32>
      %gather3A_257 = tpu.dynamic_gather %min3A_254[%gather3A_256] in [0] : vector<16xi32>, vector<16xi32> -> vector<16xi32>
      %min3A_258 = arith.minsi %min3A_254, %gather3A_257 : vector<16xi32>
      %broadcast_in_dim3A_259 = vector.shape_cast %xor3A_13 : vector<16xi32> to vector<16x1xi32>
      %gather3A_260 = vector.shape_cast %broadcast_in_dim3A_259 : vector<16x1xi32> to vector<16xi32>
      %gather3A_261 = tpu.dynamic_gather %min3A_258[%gather3A_260] in [0] : vector<16xi32>, vector<16xi32> -> vector<16xi32>
      %min3A_262 = arith.minsi %min3A_258, %gather3A_261 : vector<16xi32>
      %broadcast_in_dim3A_263 = vector.shape_cast %xor3A_16 : vector<16xi32> to vector<16x1xi32>
      %gather3A_264 = vector.shape_cast %broadcast_in_dim3A_263 : vector<16x1xi32> to vector<16xi32>
      %gather3A_265 = tpu.dynamic_gather %min3A_262[%gather3A_264] in [0] : vector<16xi32>, vector<16xi32> -> vector<16xi32>
      %min3A_266 = arith.minsi %min3A_262, %gather3A_265 : vector<16xi32>
      %convert_element_type3A_267 = arith.sitofp %min3A_266 : vector<16xi32> to vector<16xf32>
      %add3A_268 = arith.addf %add3A_232, %convert_element_type3A_267 : vector<16xf32>
      %broadcast_in_dim3A_269 = vector.shape_cast %xor3A_7 : vector<16xi32> to vector<16x1xi32>
      %gather3A_270 = vector.shape_cast %broadcast_in_dim3A_269 : vector<16x1xi32> to vector<16xi32>
      %gather3A_271 = tpu.dynamic_gather %scan3A_129#4[%gather3A_270] in [0] : vector<16xf32>, vector<16xi32> -> vector<16xf32>
      %max3A_272 = arith.maximumf %scan3A_129#4, %gather3A_271 : vector<16xf32>
      %broadcast_in_dim3A_273 = vector.shape_cast %xor3A_10 : vector<16xi32> to vector<16x1xi32>
      %gather3A_274 = vector.shape_cast %broadcast_in_dim3A_273 : vector<16x1xi32> to vector<16xi32>
      %gather3A_275 = tpu.dynamic_gather %max3A_272[%gather3A_274] in [0] : vector<16xf32>, vector<16xi32> -> vector<16xf32>
      %max3A_276 = arith.maximumf %max3A_272, %gather3A_275 : vector<16xf32>
      %broadcast_in_dim3A_277 = vector.shape_cast %xor3A_13 : vector<16xi32> to vector<16x1xi32>
      %gather3A_278 = vector.shape_cast %broadcast_in_dim3A_277 : vector<16x1xi32> to vector<16xi32>
      %gather3A_279 = tpu.dynamic_gather %max3A_276[%gather3A_278] in [0] : vector<16xf32>, vector<16xi32> -> vector<16xf32>
      %max3A_280 = arith.maximumf %max3A_276, %gather3A_279 : vector<16xf32>
      %broadcast_in_dim3A_281 = vector.shape_cast %xor3A_16 : vector<16xi32> to vector<16x1xi32>
      %gather3A_282 = vector.shape_cast %broadcast_in_dim3A_281 : vector<16x1xi32> to vector<16xi32>
      %gather3A_283 = tpu.dynamic_gather %max3A_280[%gather3A_282] in [0] : vector<16xf32>, vector<16xi32> -> vector<16xf32>
      %max3A_284 = arith.maximumf %max3A_280, %gather3A_283 : vector<16xf32>
      %eq3A_285 = arith.cmpf oeq, %scan3A_129#4, %max3A_284 : vector<16xf32>
      %select_n3A_286 = arith.select %eq3A_285, %scan3A_129#12, %broadcast_in_dim3A_1 : vector<16xi1>, vector<16xi32>
      %broadcast_in_dim3A_287 = vector.shape_cast %xor3A_7 : vector<16xi32> to vector<16x1xi32>
      %gather3A_288 = vector.shape_cast %broadcast_in_dim3A_287 : vector<16x1xi32> to vector<16xi32>
      %gather3A_289 = tpu.dynamic_gather %select_n3A_286[%gather3A_288] in [0] : vector<16xi32>, vector<16xi32> -> vector<16xi32>
      %min3A_290 = arith.minsi %select_n3A_286, %gather3A_289 : vector<16xi32>
      %broadcast_in_dim3A_291 = vector.shape_cast %xor3A_10 : vector<16xi32> to vector<16x1xi32>
      %gather3A_292 = vector.shape_cast %broadcast_in_dim3A_291 : vector<16x1xi32> to vector<16xi32>
      %gather3A_293 = tpu.dynamic_gather %min3A_290[%gather3A_292] in [0] : vector<16xi32>, vector<16xi32> -> vector<16xi32>
      %min3A_294 = arith.minsi %min3A_290, %gather3A_293 : vector<16xi32>
      %broadcast_in_dim3A_295 = vector.shape_cast %xor3A_13 : vector<16xi32> to vector<16x1xi32>
      %gather3A_296 = vector.shape_cast %broadcast_in_dim3A_295 : vector<16x1xi32> to vector<16xi32>
      %gather3A_297 = tpu.dynamic_gather %min3A_294[%gather3A_296] in [0] : vector<16xi32>, vector<16xi32> -> vector<16xi32>
      %min3A_298 = arith.minsi %min3A_294, %gather3A_297 : vector<16xi32>
      %broadcast_in_dim3A_299 = vector.shape_cast %xor3A_16 : vector<16xi32> to vector<16x1xi32>
      %gather3A_300 = vector.shape_cast %broadcast_in_dim3A_299 : vector<16x1xi32> to vector<16xi32>
      %gather3A_301 = tpu.dynamic_gather %min3A_298[%gather3A_300] in [0] : vector<16xi32>, vector<16xi32> -> vector<16xi32>
      %min3A_302 = arith.minsi %min3A_298, %gather3A_301 : vector<16xi32>
      %convert_element_type3A_303 = arith.sitofp %min3A_302 : vector<16xi32> to vector<16xf32>
      %add3A_304 = arith.addf %add3A_268, %convert_element_type3A_303 : vector<16xf32>
      %broadcast_in_dim3A_305 = vector.shape_cast %xor3A_7 : vector<16xi32> to vector<16x1xi32>
      %gather3A_306 = vector.shape_cast %broadcast_in_dim3A_305 : vector<16x1xi32> to vector<16xi32>
      %gather3A_307 = tpu.dynamic_gather %scan3A_129#5[%gather3A_306] in [0] : vector<16xf32>, vector<16xi32> -> vector<16xf32>
      %max3A_308 = arith.maximumf %scan3A_129#5, %gather3A_307 : vector<16xf32>
      %broadcast_in_dim3A_309 = vector.shape_cast %xor3A_10 : vector<16xi32> to vector<16x1xi32>
      %gather3A_310 = vector.shape_cast %broadcast_in_dim3A_309 : vector<16x1xi32> to vector<16xi32>
      %gather3A_311 = tpu.dynamic_gather %max3A_308[%gather3A_310] in [0] : vector<16xf32>, vector<16xi32> -> vector<16xf32>
      %max3A_312 = arith.maximumf %max3A_308, %gather3A_311 : vector<16xf32>
      %broadcast_in_dim3A_313 = vector.shape_cast %xor3A_13 : vector<16xi32> to vector<16x1xi32>
      %gather3A_314 = vector.shape_cast %broadcast_in_dim3A_313 : vector<16x1xi32> to vector<16xi32>
      %gather3A_315 = tpu.dynamic_gather %max3A_312[%gather3A_314] in [0] : vector<16xf32>, vector<16xi32> -> vector<16xf32>
      %max3A_316 = arith.maximumf %max3A_312, %gather3A_315 : vector<16xf32>
      %broadcast_in_dim3A_317 = vector.shape_cast %xor3A_16 : vector<16xi32> to vector<16x1xi32>
      %gather3A_318 = vector.shape_cast %broadcast_in_dim3A_317 : vector<16x1xi32> to vector<16xi32>
      %gather3A_319 = tpu.dynamic_gather %max3A_316[%gather3A_318] in [0] : vector<16xf32>, vector<16xi32> -> vector<16xf32>
      %max3A_320 = arith.maximumf %max3A_316, %gather3A_319 : vector<16xf32>
      %eq3A_321 = arith.cmpf oeq, %scan3A_129#5, %max3A_320 : vector<16xf32>
      %select_n3A_322 = arith.select %eq3A_321, %scan3A_129#13, %broadcast_in_dim3A_1 : vector<16xi1>, vector<16xi32>
      %broadcast_in_dim3A_323 = vector.shape_cast %xor3A_7 : vector<16xi32> to vector<16x1xi32>
      %gather3A_324 = vector.shape_cast %broadcast_in_dim3A_323 : vector<16x1xi32> to vector<16xi32>
      %gather3A_325 = tpu.dynamic_gather %select_n3A_322[%gather3A_324] in [0] : vector<16xi32>, vector<16xi32> -> vector<16xi32>
      %min3A_326 = arith.minsi %select_n3A_322, %gather3A_325 : vector<16xi32>
      %broadcast_in_dim3A_327 = vector.shape_cast %xor3A_10 : vector<16xi32> to vector<16x1xi32>
      %gather3A_328 = vector.shape_cast %broadcast_in_dim3A_327 : vector<16x1xi32> to vector<16xi32>
      %gather3A_329 = tpu.dynamic_gather %min3A_326[%gather3A_328] in [0] : vector<16xi32>, vector<16xi32> -> vector<16xi32>
      %min3A_330 = arith.minsi %min3A_326, %gather3A_329 : vector<16xi32>
      %broadcast_in_dim3A_331 = vector.shape_cast %xor3A_13 : vector<16xi32> to vector<16x1xi32>
      %gather3A_332 = vector.shape_cast %broadcast_in_dim3A_331 : vector<16x1xi32> to vector<16xi32>
      %gather3A_333 = tpu.dynamic_gather %min3A_330[%gather3A_332] in [0] : vector<16xi32>, vector<16xi32> -> vector<16xi32>
      %min3A_334 = arith.minsi %min3A_330, %gather3A_333 : vector<16xi32>
      %broadcast_in_dim3A_335 = vector.shape_cast %xor3A_16 : vector<16xi32> to vector<16x1xi32>
      %gather3A_336 = vector.shape_cast %broadcast_in_dim3A_335 : vector<16x1xi32> to vector<16xi32>
      %gather3A_337 = tpu.dynamic_gather %min3A_334[%gather3A_336] in [0] : vector<16xi32>, vector<16xi32> -> vector<16xi32>
      %min3A_338 = arith.minsi %min3A_334, %gather3A_337 : vector<16xi32>
      %convert_element_type3A_339 = arith.sitofp %min3A_338 : vector<16xi32> to vector<16xf32>
      %add3A_340 = arith.addf %add3A_304, %convert_element_type3A_339 : vector<16xf32>
      %broadcast_in_dim3A_341 = vector.shape_cast %xor3A_7 : vector<16xi32> to vector<16x1xi32>
      %gather3A_342 = vector.shape_cast %broadcast_in_dim3A_341 : vector<16x1xi32> to vector<16xi32>
      %gather3A_343 = tpu.dynamic_gather %scan3A_129#6[%gather3A_342] in [0] : vector<16xf32>, vector<16xi32> -> vector<16xf32>
      %max3A_344 = arith.maximumf %scan3A_129#6, %gather3A_343 : vector<16xf32>
      %broadcast_in_dim3A_345 = vector.shape_cast %xor3A_10 : vector<16xi32> to vector<16x1xi32>
      %gather3A_346 = vector.shape_cast %broadcast_in_dim3A_345 : vector<16x1xi32> to vector<16xi32>
      %gather3A_347 = tpu.dynamic_gather %max3A_344[%gather3A_346] in [0] : vector<16xf32>, vector<16xi32> -> vector<16xf32>
      %max3A_348 = arith.maximumf %max3A_344, %gather3A_347 : vector<16xf32>
      %broadcast_in_dim3A_349 = vector.shape_cast %xor3A_13 : vector<16xi32> to vector<16x1xi32>
      %gather3A_350 = vector.shape_cast %broadcast_in_dim3A_349 : vector<16x1xi32> to vector<16xi32>
      %gather3A_351 = tpu.dynamic_gather %max3A_348[%gather3A_350] in [0] : vector<16xf32>, vector<16xi32> -> vector<16xf32>
      %max3A_352 = arith.maximumf %max3A_348, %gather3A_351 : vector<16xf32>
      %broadcast_in_dim3A_353 = vector.shape_cast %xor3A_16 : vector<16xi32> to vector<16x1xi32>
      %gather3A_354 = vector.shape_cast %broadcast_in_dim3A_353 : vector<16x1xi32> to vector<16xi32>
      %gather3A_355 = tpu.dynamic_gather %max3A_352[%gather3A_354] in [0] : vector<16xf32>, vector<16xi32> -> vector<16xf32>
      %max3A_356 = arith.maximumf %max3A_352, %gather3A_355 : vector<16xf32>
      %eq3A_357 = arith.cmpf oeq, %scan3A_129#6, %max3A_356 : vector<16xf32>
      %select_n3A_358 = arith.select %eq3A_357, %scan3A_129#14, %broadcast_in_dim3A_1 : vector<16xi1>, vector<16xi32>
      %broadcast_in_dim3A_359 = vector.shape_cast %xor3A_7 : vector<16xi32> to vector<16x1xi32>
      %gather3A_360 = vector.shape_cast %broadcast_in_dim3A_359 : vector<16x1xi32> to vector<16xi32>
      %gather3A_361 = tpu.dynamic_gather %select_n3A_358[%gather3A_360] in [0] : vector<16xi32>, vector<16xi32> -> vector<16xi32>
      %min3A_362 = arith.minsi %select_n3A_358, %gather3A_361 : vector<16xi32>
      %broadcast_in_dim3A_363 = vector.shape_cast %xor3A_10 : vector<16xi32> to vector<16x1xi32>
      %gather3A_364 = vector.shape_cast %broadcast_in_dim3A_363 : vector<16x1xi32> to vector<16xi32>
      %gather3A_365 = tpu.dynamic_gather %min3A_362[%gather3A_364] in [0] : vector<16xi32>, vector<16xi32> -> vector<16xi32>
      %min3A_366 = arith.minsi %min3A_362, %gather3A_365 : vector<16xi32>
      %broadcast_in_dim3A_367 = vector.shape_cast %xor3A_13 : vector<16xi32> to vector<16x1xi32>
      %gather3A_368 = vector.shape_cast %broadcast_in_dim3A_367 : vector<16x1xi32> to vector<16xi32>
      %gather3A_369 = tpu.dynamic_gather %min3A_366[%gather3A_368] in [0] : vector<16xi32>, vector<16xi32> -> vector<16xi32>
      %min3A_370 = arith.minsi %min3A_366, %gather3A_369 : vector<16xi32>
      %broadcast_in_dim3A_371 = vector.shape_cast %xor3A_16 : vector<16xi32> to vector<16x1xi32>
      %gather3A_372 = vector.shape_cast %broadcast_in_dim3A_371 : vector<16x1xi32> to vector<16xi32>
      %gather3A_373 = tpu.dynamic_gather %min3A_370[%gather3A_372] in [0] : vector<16xi32>, vector<16xi32> -> vector<16xi32>
      %min3A_374 = arith.minsi %min3A_370, %gather3A_373 : vector<16xi32>
      %convert_element_type3A_375 = arith.sitofp %min3A_374 : vector<16xi32> to vector<16xf32>
      %add3A_376 = arith.addf %add3A_340, %convert_element_type3A_375 : vector<16xf32>
      %broadcast_in_dim3A_377 = vector.shape_cast %xor3A_7 : vector<16xi32> to vector<16x1xi32>
      %gather3A_378 = vector.shape_cast %broadcast_in_dim3A_377 : vector<16x1xi32> to vector<16xi32>
      %gather3A_379 = tpu.dynamic_gather %scan3A_129#7[%gather3A_378] in [0] : vector<16xf32>, vector<16xi32> -> vector<16xf32>
      %max3A_380 = arith.maximumf %scan3A_129#7, %gather3A_379 : vector<16xf32>
      %broadcast_in_dim3A_381 = vector.shape_cast %xor3A_10 : vector<16xi32> to vector<16x1xi32>
      %gather3A_382 = vector.shape_cast %broadcast_in_dim3A_381 : vector<16x1xi32> to vector<16xi32>
      %gather3A_383 = tpu.dynamic_gather %max3A_380[%gather3A_382] in [0] : vector<16xf32>, vector<16xi32> -> vector<16xf32>
      %max3A_384 = arith.maximumf %max3A_380, %gather3A_383 : vector<16xf32>
      %broadcast_in_dim3A_385 = vector.shape_cast %xor3A_13 : vector<16xi32> to vector<16x1xi32>
      %gather3A_386 = vector.shape_cast %broadcast_in_dim3A_385 : vector<16x1xi32> to vector<16xi32>
      %gather3A_387 = tpu.dynamic_gather %max3A_384[%gather3A_386] in [0] : vector<16xf32>, vector<16xi32> -> vector<16xf32>
      %max3A_388 = arith.maximumf %max3A_384, %gather3A_387 : vector<16xf32>
      %broadcast_in_dim3A_389 = vector.shape_cast %xor3A_16 : vector<16xi32> to vector<16x1xi32>
      %gather3A_390 = vector.shape_cast %broadcast_in_dim3A_389 : vector<16x1xi32> to vector<16xi32>
      %gather3A_391 = tpu.dynamic_gather %max3A_388[%gather3A_390] in [0] : vector<16xf32>, vector<16xi32> -> vector<16xf32>
      %max3A_392 = arith.maximumf %max3A_388, %gather3A_391 : vector<16xf32>
      %eq3A_393 = arith.cmpf oeq, %scan3A_129#7, %max3A_392 : vector<16xf32>
      %select_n3A_394 = arith.select %eq3A_393, %scan3A_129#15, %broadcast_in_dim3A_1 : vector<16xi1>, vector<16xi32>
      %broadcast_in_dim3A_395 = vector.shape_cast %xor3A_7 : vector<16xi32> to vector<16x1xi32>
      %gather3A_396 = vector.shape_cast %broadcast_in_dim3A_395 : vector<16x1xi32> to vector<16xi32>
      %gather3A_397 = tpu.dynamic_gather %select_n3A_394[%gather3A_396] in [0] : vector<16xi32>, vector<16xi32> -> vector<16xi32>
      %min3A_398 = arith.minsi %select_n3A_394, %gather3A_397 : vector<16xi32>
      %broadcast_in_dim3A_399 = vector.shape_cast %xor3A_10 : vector<16xi32> to vector<16x1xi32>
      %gather3A_400 = vector.shape_cast %broadcast_in_dim3A_399 : vector<16x1xi32> to vector<16xi32>
      %gather3A_401 = tpu.dynamic_gather %min3A_398[%gather3A_400] in [0] : vector<16xi32>, vector<16xi32> -> vector<16xi32>
      %min3A_402 = arith.minsi %min3A_398, %gather3A_401 : vector<16xi32>
      %broadcast_in_dim3A_403 = vector.shape_cast %xor3A_13 : vector<16xi32> to vector<16x1xi32>
      %gather3A_404 = vector.shape_cast %broadcast_in_dim3A_403 : vector<16x1xi32> to vector<16xi32>
      %gather3A_405 = tpu.dynamic_gather %min3A_402[%gather3A_404] in [0] : vector<16xi32>, vector<16xi32> -> vector<16xi32>
      %min3A_406 = arith.minsi %min3A_402, %gather3A_405 : vector<16xi32>
      %broadcast_in_dim3A_407 = vector.shape_cast %xor3A_16 : vector<16xi32> to vector<16x1xi32>
      %gather3A_408 = vector.shape_cast %broadcast_in_dim3A_407 : vector<16x1xi32> to vector<16xi32>
      %gather3A_409 = tpu.dynamic_gather %min3A_406[%gather3A_408] in [0] : vector<16xi32>, vector<16xi32> -> vector<16xi32>
      %min3A_410 = arith.minsi %min3A_406, %gather3A_409 : vector<16xi32>
      %convert_element_type3A_411 = arith.sitofp %min3A_410 : vector<16xi32> to vector<16xf32>
      %add3A_412 = arith.addf %add3A_376, %convert_element_type3A_411 : vector<16xf32>
      %slice3A_413 = vector.extract_strided_slice %get3A_40 {offsets = [8], sizes = [1], strides = [1]} : vector<16xf32> to vector<1xf32>
      %squeeze3A_414 = vector.extract %slice3A_413[0] : f32 from vector<1xf32>
      %broadcast_in_dim3A_415 = vector.broadcast %squeeze3A_414 : f32 to vector<16xf32>
      %slice3A_416 = vector.extract_strided_slice %get3A_47 {offsets = [8], sizes = [1], strides = [1]} : vector<16xf32> to vector<1xf32>
      %squeeze3A_417 = vector.extract %slice3A_416[0] : f32 from vector<1xf32>
      %broadcast_in_dim3A_418 = vector.broadcast %squeeze3A_417 : f32 to vector<16xf32>
      %slice3A_419 = vector.extract_strided_slice %get3A_54 {offsets = [8], sizes = [1], strides = [1]} : vector<16xf32> to vector<1xf32>
      %squeeze3A_420 = vector.extract %slice3A_419[0] : f32 from vector<1xf32>
      %broadcast_in_dim3A_421 = vector.broadcast %squeeze3A_420 : f32 to vector<16xf32>
      %slice3A_422 = vector.extract_strided_slice %get3A_40 {offsets = [9], sizes = [1], strides = [1]} : vector<16xf32> to vector<1xf32>
      %squeeze3A_423 = vector.extract %slice3A_422[0] : f32 from vector<1xf32>
      %broadcast_in_dim3A_424 = vector.broadcast %squeeze3A_423 : f32 to vector<16xf32>
      %slice3A_425 = vector.extract_strided_slice %get3A_47 {offsets = [9], sizes = [1], strides = [1]} : vector<16xf32> to vector<1xf32>
      %squeeze3A_426 = vector.extract %slice3A_425[0] : f32 from vector<1xf32>
      %broadcast_in_dim3A_427 = vector.broadcast %squeeze3A_426 : f32 to vector<16xf32>
      %slice3A_428 = vector.extract_strided_slice %get3A_54 {offsets = [9], sizes = [1], strides = [1]} : vector<16xf32> to vector<1xf32>
      %squeeze3A_429 = vector.extract %slice3A_428[0] : f32 from vector<1xf32>
      %broadcast_in_dim3A_430 = vector.broadcast %squeeze3A_429 : f32 to vector<16xf32>
      %slice3A_431 = vector.extract_strided_slice %get3A_40 {offsets = [10], sizes = [1], strides = [1]} : vector<16xf32> to vector<1xf32>
      %squeeze3A_432 = vector.extract %slice3A_431[0] : f32 from vector<1xf32>
      %broadcast_in_dim3A_433 = vector.broadcast %squeeze3A_432 : f32 to vector<16xf32>
      %slice3A_434 = vector.extract_strided_slice %get3A_47 {offsets = [10], sizes = [1], strides = [1]} : vector<16xf32> to vector<1xf32>
      %squeeze3A_435 = vector.extract %slice3A_434[0] : f32 from vector<1xf32>
      %broadcast_in_dim3A_436 = vector.broadcast %squeeze3A_435 : f32 to vector<16xf32>
      %slice3A_437 = vector.extract_strided_slice %get3A_54 {offsets = [10], sizes = [1], strides = [1]} : vector<16xf32> to vector<1xf32>
      %squeeze3A_438 = vector.extract %slice3A_437[0] : f32 from vector<1xf32>
      %broadcast_in_dim3A_439 = vector.broadcast %squeeze3A_438 : f32 to vector<16xf32>
      %slice3A_440 = vector.extract_strided_slice %get3A_40 {offsets = [11], sizes = [1], strides = [1]} : vector<16xf32> to vector<1xf32>
      %squeeze3A_441 = vector.extract %slice3A_440[0] : f32 from vector<1xf32>
      %broadcast_in_dim3A_442 = vector.broadcast %squeeze3A_441 : f32 to vector<16xf32>
      %slice3A_443 = vector.extract_strided_slice %get3A_47 {offsets = [11], sizes = [1], strides = [1]} : vector<16xf32> to vector<1xf32>
      %squeeze3A_444 = vector.extract %slice3A_443[0] : f32 from vector<1xf32>
      %broadcast_in_dim3A_445 = vector.broadcast %squeeze3A_444 : f32 to vector<16xf32>
      %slice3A_446 = vector.extract_strided_slice %get3A_54 {offsets = [11], sizes = [1], strides = [1]} : vector<16xf32> to vector<1xf32>
      %squeeze3A_447 = vector.extract %slice3A_446[0] : f32 from vector<1xf32>
      %broadcast_in_dim3A_448 = vector.broadcast %squeeze3A_447 : f32 to vector<16xf32>
      %slice3A_449 = vector.extract_strided_slice %get3A_40 {offsets = [12], sizes = [1], strides = [1]} : vector<16xf32> to vector<1xf32>
      %squeeze3A_450 = vector.extract %slice3A_449[0] : f32 from vector<1xf32>
      %broadcast_in_dim3A_451 = vector.broadcast %squeeze3A_450 : f32 to vector<16xf32>
      %slice3A_452 = vector.extract_strided_slice %get3A_47 {offsets = [12], sizes = [1], strides = [1]} : vector<16xf32> to vector<1xf32>
      %squeeze3A_453 = vector.extract %slice3A_452[0] : f32 from vector<1xf32>
      %broadcast_in_dim3A_454 = vector.broadcast %squeeze3A_453 : f32 to vector<16xf32>
      %slice3A_455 = vector.extract_strided_slice %get3A_54 {offsets = [12], sizes = [1], strides = [1]} : vector<16xf32> to vector<1xf32>
      %squeeze3A_456 = vector.extract %slice3A_455[0] : f32 from vector<1xf32>
      %broadcast_in_dim3A_457 = vector.broadcast %squeeze3A_456 : f32 to vector<16xf32>
      %slice3A_458 = vector.extract_strided_slice %get3A_40 {offsets = [13], sizes = [1], strides = [1]} : vector<16xf32> to vector<1xf32>
      %squeeze3A_459 = vector.extract %slice3A_458[0] : f32 from vector<1xf32>
      %broadcast_in_dim3A_460 = vector.broadcast %squeeze3A_459 : f32 to vector<16xf32>
      %slice3A_461 = vector.extract_strided_slice %get3A_47 {offsets = [13], sizes = [1], strides = [1]} : vector<16xf32> to vector<1xf32>
      %squeeze3A_462 = vector.extract %slice3A_461[0] : f32 from vector<1xf32>
      %broadcast_in_dim3A_463 = vector.broadcast %squeeze3A_462 : f32 to vector<16xf32>
      %slice3A_464 = vector.extract_strided_slice %get3A_54 {offsets = [13], sizes = [1], strides = [1]} : vector<16xf32> to vector<1xf32>
      %squeeze3A_465 = vector.extract %slice3A_464[0] : f32 from vector<1xf32>
      %broadcast_in_dim3A_466 = vector.broadcast %squeeze3A_465 : f32 to vector<16xf32>
      %slice3A_467 = vector.extract_strided_slice %get3A_40 {offsets = [14], sizes = [1], strides = [1]} : vector<16xf32> to vector<1xf32>
      %squeeze3A_468 = vector.extract %slice3A_467[0] : f32 from vector<1xf32>
      %broadcast_in_dim3A_469 = vector.broadcast %squeeze3A_468 : f32 to vector<16xf32>
      %slice3A_470 = vector.extract_strided_slice %get3A_47 {offsets = [14], sizes = [1], strides = [1]} : vector<16xf32> to vector<1xf32>
      %squeeze3A_471 = vector.extract %slice3A_470[0] : f32 from vector<1xf32>
      %broadcast_in_dim3A_472 = vector.broadcast %squeeze3A_471 : f32 to vector<16xf32>
      %slice3A_473 = vector.extract_strided_slice %get3A_54 {offsets = [14], sizes = [1], strides = [1]} : vector<16xf32> to vector<1xf32>
      %squeeze3A_474 = vector.extract %slice3A_473[0] : f32 from vector<1xf32>
      %broadcast_in_dim3A_475 = vector.broadcast %squeeze3A_474 : f32 to vector<16xf32>
      %slice3A_476 = vector.extract_strided_slice %get3A_40 {offsets = [15], sizes = [1], strides = [1]} : vector<16xf32> to vector<1xf32>
      %squeeze3A_477 = vector.extract %slice3A_476[0] : f32 from vector<1xf32>
      %broadcast_in_dim3A_478 = vector.broadcast %squeeze3A_477 : f32 to vector<16xf32>
      %slice3A_479 = vector.extract_strided_slice %get3A_47 {offsets = [15], sizes = [1], strides = [1]} : vector<16xf32> to vector<1xf32>
      %squeeze3A_480 = vector.extract %slice3A_479[0] : f32 from vector<1xf32>
      %broadcast_in_dim3A_481 = vector.broadcast %squeeze3A_480 : f32 to vector<16xf32>
      %slice3A_482 = vector.extract_strided_slice %get3A_54 {offsets = [15], sizes = [1], strides = [1]} : vector<16xf32> to vector<1xf32>
      %squeeze3A_483 = vector.extract %slice3A_482[0] : f32 from vector<1xf32>
      %broadcast_in_dim3A_484 = vector.broadcast %squeeze3A_483 : f32 to vector<16xf32>
      %scan3A_485 = arith.constant 0 : i32
      %scan3A_486 = arith.constant 512 : i32
      %scan3A_487 = arith.addi %scan3A_485, %scan3A_486 : i32
      %scan3A_488 = arith.constant 1 : i32
      %scan3A_489:16 = scf.for %scan3A_779 = %scan3A_485 to %scan3A_487 step %scan3A_488 iter_args(%scan3A_780 = %broadcast_in_dim3A_3, %scan3A_781 = %broadcast_in_dim3A_3, %scan3A_782 = %broadcast_in_dim3A_3, %scan3A_783 = %broadcast_in_dim3A_3, %scan3A_784 = %broadcast_in_dim3A_3, %scan3A_785 = %broadcast_in_dim3A_3, %scan3A_786 = %broadcast_in_dim3A_3, %scan3A_787 = %broadcast_in_dim3A_3, %scan3A_788 = %broadcast_in_dim3A_5, %scan3A_789 = %broadcast_in_dim3A_5, %scan3A_790 = %broadcast_in_dim3A_5, %scan3A_791 = %broadcast_in_dim3A_5, %scan3A_792 = %broadcast_in_dim3A_5, %scan3A_793 = %broadcast_in_dim3A_5, %scan3A_794 = %broadcast_in_dim3A_5, %scan3A_795 = %broadcast_in_dim3A_5) -> (vector<16xf32>, vector<16xf32>, vector<16xf32>, vector<16xf32>, vector<16xf32>, vector<16xf32>, vector<16xf32>, vector<16xf32>, vector<16xi32>, vector<16xi32>, vector<16xi32>, vector<16xi32>, vector<16xi32>, vector<16xi32>, vector<16xi32>, vector<16xi32>)  : i32 {
        %mul3A_796 = arith.constant 16 : i32
        %mul3A_797 = arith.muli %scan3A_779, %mul3A_796 : i32
        %get3A_798 = arith.constant 0 : i32
        %get3A_799 = arith.index_cast %get3A_798 : i32 to index
        %get3A_800 = arith.index_cast %mul3A_797 : i32 to index
        %get3A_801 = tpu.vector_load %arg5[%get3A_799, %get3A_800] {strides = array<i32>} : memref<4x8192xf32, #tpu.memory_space<vmem>>, vector<1x16xf32>,
        %get3A_802 = vector.shape_cast %get3A_801 : vector<1x16xf32> to vector<16xf32>
        %get3A_803 = arith.constant 1 : i32
        %get3A_804 = arith.index_cast %get3A_803 : i32 to index
        %get3A_805 = arith.index_cast %mul3A_797 : i32 to index
        %get3A_806 = tpu.vector_load %arg5[%get3A_804, %get3A_805] {strides = array<i32>} : memref<4x8192xf32, #tpu.memory_space<vmem>>, vector<1x16xf32>,
        %get3A_807 = vector.shape_cast %get3A_806 : vector<1x16xf32> to vector<16xf32>
        %get3A_808 = arith.constant 2 : i32
        %get3A_809 = arith.index_cast %get3A_808 : i32 to index
        %get3A_810 = arith.index_cast %mul3A_797 : i32 to index
        %get3A_811 = tpu.vector_load %arg5[%get3A_809, %get3A_810] {strides = array<i32>} : memref<4x8192xf32, #tpu.memory_space<vmem>>, vector<1x16xf32>,
        %get3A_812 = vector.shape_cast %get3A_811 : vector<1x16xf32> to vector<16xf32>
        %get3A_813 = arith.constant 3 : i32
        %get3A_814 = arith.index_cast %get3A_813 : i32 to index
        %get3A_815 = arith.index_cast %mul3A_797 : i32 to index
        %get3A_816 = tpu.vector_load %arg5[%get3A_814, %get3A_815] {strides = array<i32>} : memref<4x8192xf32, #tpu.memory_space<vmem>>, vector<1x16xf32>,
        %get3A_817 = vector.shape_cast %get3A_816 : vector<1x16xf32> to vector<16xf32>
        %add3A_818 = vector.broadcast %mul3A_797 : i32 to vector<16xi32>
        %add3A_819 = arith.addi %iota3A, %add3A_818 : vector<16xi32>
        %mul3A_820 = arith.mulf %broadcast_in_dim3A_415, %get3A_802 : vector<16xf32>
        %add3A_821 = arith.addf %mul3A_820, %get3A_817 : vector<16xf32>
        %mul3A_822 = arith.mulf %broadcast_in_dim3A_418, %get3A_807 : vector<16xf32>
        %add3A_823 = arith.addf %add3A_821, %mul3A_822 : vector<16xf32>
        %mul3A_824 = arith.mulf %broadcast_in_dim3A_421, %get3A_812 : vector<16xf32>
        %add3A_825 = arith.addf %add3A_823, %mul3A_824 : vector<16xf32>
        %gt3A = arith.cmpf ogt, %add3A_825, %scan3A_780 : vector<16xf32>
        %select_n3A_826 = arith.select %gt3A, %add3A_825, %scan3A_780 : vector<16xi1>, vector<16xf32>
        %select_n3A_827 = arith.select %gt3A, %add3A_819, %scan3A_788 : vector<16xi1>, vector<16xi32>
        %mul3A_828 = arith.mulf %broadcast_in_dim3A_424, %get3A_802 : vector<16xf32>
        %add3A_829 = arith.addf %mul3A_828, %get3A_817 : vector<16xf32>
        %mul3A_830 = arith.mulf %broadcast_in_dim3A_427, %get3A_807 : vector<16xf32>
        %add3A_831 = arith.addf %add3A_829, %mul3A_830 : vector<16xf32>
        %mul3A_832 = arith.mulf %broadcast_in_dim3A_430, %get3A_812 : vector<16xf32>
        %add3A_833 = arith.addf %add3A_831, %mul3A_832 : vector<16xf32>
        %gt3A_834 = arith.cmpf ogt, %add3A_833, %scan3A_781 : vector<16xf32>
        %select_n3A_835 = arith.select %gt3A_834, %add3A_833, %scan3A_781 : vector<16xi1>, vector<16xf32>
        %select_n3A_836 = arith.select %gt3A_834, %add3A_819, %scan3A_789 : vector<16xi1>, vector<16xi32>
        %mul3A_837 = arith.mulf %broadcast_in_dim3A_433, %get3A_802 : vector<16xf32>
        %add3A_838 = arith.addf %mul3A_837, %get3A_817 : vector<16xf32>
        %mul3A_839 = arith.mulf %broadcast_in_dim3A_436, %get3A_807 : vector<16xf32>
        %add3A_840 = arith.addf %add3A_838, %mul3A_839 : vector<16xf32>
        %mul3A_841 = arith.mulf %broadcast_in_dim3A_439, %get3A_812 : vector<16xf32>
        %add3A_842 = arith.addf %add3A_840, %mul3A_841 : vector<16xf32>
        %gt3A_843 = arith.cmpf ogt, %add3A_842, %scan3A_782 : vector<16xf32>
        %select_n3A_844 = arith.select %gt3A_843, %add3A_842, %scan3A_782 : vector<16xi1>, vector<16xf32>
        %select_n3A_845 = arith.select %gt3A_843, %add3A_819, %scan3A_790 : vector<16xi1>, vector<16xi32>
        %mul3A_846 = arith.mulf %broadcast_in_dim3A_442, %get3A_802 : vector<16xf32>
        %add3A_847 = arith.addf %mul3A_846, %get3A_817 : vector<16xf32>
        %mul3A_848 = arith.mulf %broadcast_in_dim3A_445, %get3A_807 : vector<16xf32>
        %add3A_849 = arith.addf %add3A_847, %mul3A_848 : vector<16xf32>
        %mul3A_850 = arith.mulf %broadcast_in_dim3A_448, %get3A_812 : vector<16xf32>
        %add3A_851 = arith.addf %add3A_849, %mul3A_850 : vector<16xf32>
        %gt3A_852 = arith.cmpf ogt, %add3A_851, %scan3A_783 : vector<16xf32>
        %select_n3A_853 = arith.select %gt3A_852, %add3A_851, %scan3A_783 : vector<16xi1>, vector<16xf32>
        %select_n3A_854 = arith.select %gt3A_852, %add3A_819, %scan3A_791 : vector<16xi1>, vector<16xi32>
        %mul3A_855 = arith.mulf %broadcast_in_dim3A_451, %get3A_802 : vector<16xf32>
        %add3A_856 = arith.addf %mul3A_855, %get3A_817 : vector<16xf32>
        %mul3A_857 = arith.mulf %broadcast_in_dim3A_454, %get3A_807 : vector<16xf32>
        %add3A_858 = arith.addf %add3A_856, %mul3A_857 : vector<16xf32>
        %mul3A_859 = arith.mulf %broadcast_in_dim3A_457, %get3A_812 : vector<16xf32>
        %add3A_860 = arith.addf %add3A_858, %mul3A_859 : vector<16xf32>
        %gt3A_861 = arith.cmpf ogt, %add3A_860, %scan3A_784 : vector<16xf32>
        %select_n3A_862 = arith.select %gt3A_861, %add3A_860, %scan3A_784 : vector<16xi1>, vector<16xf32>
        %select_n3A_863 = arith.select %gt3A_861, %add3A_819, %scan3A_792 : vector<16xi1>, vector<16xi32>
        %mul3A_864 = arith.mulf %broadcast_in_dim3A_460, %get3A_802 : vector<16xf32>
        %add3A_865 = arith.addf %mul3A_864, %get3A_817 : vector<16xf32>
        %mul3A_866 = arith.mulf %broadcast_in_dim3A_463, %get3A_807 : vector<16xf32>
        %add3A_867 = arith.addf %add3A_865, %mul3A_866 : vector<16xf32>
        %mul3A_868 = arith.mulf %broadcast_in_dim3A_466, %get3A_812 : vector<16xf32>
        %add3A_869 = arith.addf %add3A_867, %mul3A_868 : vector<16xf32>
        %gt3A_870 = arith.cmpf ogt, %add3A_869, %scan3A_785 : vector<16xf32>
        %select_n3A_871 = arith.select %gt3A_870, %add3A_869, %scan3A_785 : vector<16xi1>, vector<16xf32>
        %select_n3A_872 = arith.select %gt3A_870, %add3A_819, %scan3A_793 : vector<16xi1>, vector<16xi32>
        %mul3A_873 = arith.mulf %broadcast_in_dim3A_469, %get3A_802 : vector<16xf32>
        %add3A_874 = arith.addf %mul3A_873, %get3A_817 : vector<16xf32>
        %mul3A_875 = arith.mulf %broadcast_in_dim3A_472, %get3A_807 : vector<16xf32>
        %add3A_876 = arith.addf %add3A_874, %mul3A_875 : vector<16xf32>
        %mul3A_877 = arith.mulf %broadcast_in_dim3A_475, %get3A_812 : vector<16xf32>
        %add3A_878 = arith.addf %add3A_876, %mul3A_877 : vector<16xf32>
        %gt3A_879 = arith.cmpf ogt, %add3A_878, %scan3A_786 : vector<16xf32>
        %select_n3A_880 = arith.select %gt3A_879, %add3A_878, %scan3A_786 : vector<16xi1>, vector<16xf32>
        %select_n3A_881 = arith.select %gt3A_879, %add3A_819, %scan3A_794 : vector<16xi1>, vector<16xi32>
        %mul3A_882 = arith.mulf %broadcast_in_dim3A_478, %get3A_802 : vector<16xf32>
        %add3A_883 = arith.addf %mul3A_882, %get3A_817 : vector<16xf32>
        %mul3A_884 = arith.mulf %broadcast_in_dim3A_481, %get3A_807 : vector<16xf32>
        %add3A_885 = arith.addf %add3A_883, %mul3A_884 : vector<16xf32>
        %mul3A_886 = arith.mulf %broadcast_in_dim3A_484, %get3A_812 : vector<16xf32>
        %add3A_887 = arith.addf %add3A_885, %mul3A_886 : vector<16xf32>
        %gt3A_888 = arith.cmpf ogt, %add3A_887, %scan3A_787 : vector<16xf32>
        %select_n3A_889 = arith.select %gt3A_888, %add3A_887, %scan3A_787 : vector<16xi1>, vector<16xf32>
        %select_n3A_890 = arith.select %gt3A_888, %add3A_819, %scan3A_795 : vector<16xi1>, vector<16xi32>
        scf.yield %select_n3A_826, %select_n3A_835, %select_n3A_844, %select_n3A_853, %select_n3A_862, %select_n3A_871, %select_n3A_880, %select_n3A_889, %select_n3A_827, %select_n3A_836, %select_n3A_845, %select_n3A_854, %select_n3A_863, %select_n3A_872, %select_n3A_881, %select_n3A_890 : vector<16xf32>, vector<16xf32>, vector<16xf32>, vector<16xf32>, vector<16xf32>, vector<16xf32>, vector<16xf32>, vector<16xf32>, vector<16xi32>, vector<16xi32>, vector<16xi32>, vector<16xi32>, vector<16xi32>, vector<16xi32>, vector<16xi32>, vector<16xi32>
      }
      %scan3A_490 = arith.constant 512 : i32
      %broadcast_in_dim3A_491 = vector.shape_cast %xor3A_7 : vector<16xi32> to vector<16x1xi32>
      %gather3A_492 = vector.shape_cast %broadcast_in_dim3A_491 : vector<16x1xi32> to vector<16xi32>
      %gather3A_493 = tpu.dynamic_gather %scan3A_489#0[%gather3A_492] in [0] : vector<16xf32>, vector<16xi32> -> vector<16xf32>
      %max3A_494 = arith.maximumf %scan3A_489#0, %gather3A_493 : vector<16xf32>
      %broadcast_in_dim3A_495 = vector.shape_cast %xor3A_10 : vector<16xi32> to vector<16x1xi32>
      %gather3A_496 = vector.shape_cast %broadcast_in_dim3A_495 : vector<16x1xi32> to vector<16xi32>
      %gather3A_497 = tpu.dynamic_gather %max3A_494[%gather3A_496] in [0] : vector<16xf32>, vector<16xi32> -> vector<16xf32>
      %max3A_498 = arith.maximumf %max3A_494, %gather3A_497 : vector<16xf32>
      %broadcast_in_dim3A_499 = vector.shape_cast %xor3A_13 : vector<16xi32> to vector<16x1xi32>
      %gather3A_500 = vector.shape_cast %broadcast_in_dim3A_499 : vector<16x1xi32> to vector<16xi32>
      %gather3A_501 = tpu.dynamic_gather %max3A_498[%gather3A_500] in [0] : vector<16xf32>, vector<16xi32> -> vector<16xf32>
      %max3A_502 = arith.maximumf %max3A_498, %gather3A_501 : vector<16xf32>
      %broadcast_in_dim3A_503 = vector.shape_cast %xor3A_16 : vector<16xi32> to vector<16x1xi32>
      %gather3A_504 = vector.shape_cast %broadcast_in_dim3A_503 : vector<16x1xi32> to vector<16xi32>
      %gather3A_505 = tpu.dynamic_gather %max3A_502[%gather3A_504] in [0] : vector<16xf32>, vector<16xi32> -> vector<16xf32>
      %max3A_506 = arith.maximumf %max3A_502, %gather3A_505 : vector<16xf32>
      %eq3A_507 = arith.cmpf oeq, %scan3A_489#0, %max3A_506 : vector<16xf32>
      %select_n3A_508 = arith.select %eq3A_507, %scan3A_489#8, %broadcast_in_dim3A_1 : vector<16xi1>, vector<16xi32>
      %broadcast_in_dim3A_509 = vector.shape_cast %xor3A_7 : vector<16xi32> to vector<16x1xi32>
      %gather3A_510 = vector.shape_cast %broadcast_in_dim3A_509 : vector<16x1xi32> to vector<16xi32>
      %gather3A_511 = tpu.dynamic_gather %select_n3A_508[%gather3A_510] in [0] : vector<16xi32>, vector<16xi32> -> vector<16xi32>
      %min3A_512 = arith.minsi %select_n3A_508, %gather3A_511 : vector<16xi32>
      %broadcast_in_dim3A_513 = vector.shape_cast %xor3A_10 : vector<16xi32> to vector<16x1xi32>
      %gather3A_514 = vector.shape_cast %broadcast_in_dim3A_513 : vector<16x1xi32> to vector<16xi32>
      %gather3A_515 = tpu.dynamic_gather %min3A_512[%gather3A_514] in [0] : vector<16xi32>, vector<16xi32> -> vector<16xi32>
      %min3A_516 = arith.minsi %min3A_512, %gather3A_515 : vector<16xi32>
      %broadcast_in_dim3A_517 = vector.shape_cast %xor3A_13 : vector<16xi32> to vector<16x1xi32>
      %gather3A_518 = vector.shape_cast %broadcast_in_dim3A_517 : vector<16x1xi32> to vector<16xi32>
      %gather3A_519 = tpu.dynamic_gather %min3A_516[%gather3A_518] in [0] : vector<16xi32>, vector<16xi32> -> vector<16xi32>
      %min3A_520 = arith.minsi %min3A_516, %gather3A_519 : vector<16xi32>
      %broadcast_in_dim3A_521 = vector.shape_cast %xor3A_16 : vector<16xi32> to vector<16x1xi32>
      %gather3A_522 = vector.shape_cast %broadcast_in_dim3A_521 : vector<16x1xi32> to vector<16xi32>
      %gather3A_523 = tpu.dynamic_gather %min3A_520[%gather3A_522] in [0] : vector<16xi32>, vector<16xi32> -> vector<16xi32>
      %min3A_524 = arith.minsi %min3A_520, %gather3A_523 : vector<16xi32>
      %convert_element_type3A_525 = arith.sitofp %min3A_524 : vector<16xi32> to vector<16xf32>
      %add3A_526 = arith.addf %add3A_412, %convert_element_type3A_525 : vector<16xf32>
      %broadcast_in_dim3A_527 = vector.shape_cast %xor3A_7 : vector<16xi32> to vector<16x1xi32>
      %gather3A_528 = vector.shape_cast %broadcast_in_dim3A_527 : vector<16x1xi32> to vector<16xi32>
      %gather3A_529 = tpu.dynamic_gather %scan3A_489#1[%gather3A_528] in [0] : vector<16xf32>, vector<16xi32> -> vector<16xf32>
      %max3A_530 = arith.maximumf %scan3A_489#1, %gather3A_529 : vector<16xf32>
      %broadcast_in_dim3A_531 = vector.shape_cast %xor3A_10 : vector<16xi32> to vector<16x1xi32>
      %gather3A_532 = vector.shape_cast %broadcast_in_dim3A_531 : vector<16x1xi32> to vector<16xi32>
      %gather3A_533 = tpu.dynamic_gather %max3A_530[%gather3A_532] in [0] : vector<16xf32>, vector<16xi32> -> vector<16xf32>
      %max3A_534 = arith.maximumf %max3A_530, %gather3A_533 : vector<16xf32>
      %broadcast_in_dim3A_535 = vector.shape_cast %xor3A_13 : vector<16xi32> to vector<16x1xi32>
      %gather3A_536 = vector.shape_cast %broadcast_in_dim3A_535 : vector<16x1xi32> to vector<16xi32>
      %gather3A_537 = tpu.dynamic_gather %max3A_534[%gather3A_536] in [0] : vector<16xf32>, vector<16xi32> -> vector<16xf32>
      %max3A_538 = arith.maximumf %max3A_534, %gather3A_537 : vector<16xf32>
      %broadcast_in_dim3A_539 = vector.shape_cast %xor3A_16 : vector<16xi32> to vector<16x1xi32>
      %gather3A_540 = vector.shape_cast %broadcast_in_dim3A_539 : vector<16x1xi32> to vector<16xi32>
      %gather3A_541 = tpu.dynamic_gather %max3A_538[%gather3A_540] in [0] : vector<16xf32>, vector<16xi32> -> vector<16xf32>
      %max3A_542 = arith.maximumf %max3A_538, %gather3A_541 : vector<16xf32>
      %eq3A_543 = arith.cmpf oeq, %scan3A_489#1, %max3A_542 : vector<16xf32>
      %select_n3A_544 = arith.select %eq3A_543, %scan3A_489#9, %broadcast_in_dim3A_1 : vector<16xi1>, vector<16xi32>
      %broadcast_in_dim3A_545 = vector.shape_cast %xor3A_7 : vector<16xi32> to vector<16x1xi32>
      %gather3A_546 = vector.shape_cast %broadcast_in_dim3A_545 : vector<16x1xi32> to vector<16xi32>
      %gather3A_547 = tpu.dynamic_gather %select_n3A_544[%gather3A_546] in [0] : vector<16xi32>, vector<16xi32> -> vector<16xi32>
      %min3A_548 = arith.minsi %select_n3A_544, %gather3A_547 : vector<16xi32>
      %broadcast_in_dim3A_549 = vector.shape_cast %xor3A_10 : vector<16xi32> to vector<16x1xi32>
      %gather3A_550 = vector.shape_cast %broadcast_in_dim3A_549 : vector<16x1xi32> to vector<16xi32>
      %gather3A_551 = tpu.dynamic_gather %min3A_548[%gather3A_550] in [0] : vector<16xi32>, vector<16xi32> -> vector<16xi32>
      %min3A_552 = arith.minsi %min3A_548, %gather3A_551 : vector<16xi32>
      %broadcast_in_dim3A_553 = vector.shape_cast %xor3A_13 : vector<16xi32> to vector<16x1xi32>
      %gather3A_554 = vector.shape_cast %broadcast_in_dim3A_553 : vector<16x1xi32> to vector<16xi32>
      %gather3A_555 = tpu.dynamic_gather %min3A_552[%gather3A_554] in [0] : vector<16xi32>, vector<16xi32> -> vector<16xi32>
      %min3A_556 = arith.minsi %min3A_552, %gather3A_555 : vector<16xi32>
      %broadcast_in_dim3A_557 = vector.shape_cast %xor3A_16 : vector<16xi32> to vector<16x1xi32>
      %gather3A_558 = vector.shape_cast %broadcast_in_dim3A_557 : vector<16x1xi32> to vector<16xi32>
      %gather3A_559 = tpu.dynamic_gather %min3A_556[%gather3A_558] in [0] : vector<16xi32>, vector<16xi32> -> vector<16xi32>
      %min3A_560 = arith.minsi %min3A_556, %gather3A_559 : vector<16xi32>
      %convert_element_type3A_561 = arith.sitofp %min3A_560 : vector<16xi32> to vector<16xf32>
      %add3A_562 = arith.addf %add3A_526, %convert_element_type3A_561 : vector<16xf32>
      %broadcast_in_dim3A_563 = vector.shape_cast %xor3A_7 : vector<16xi32> to vector<16x1xi32>
      %gather3A_564 = vector.shape_cast %broadcast_in_dim3A_563 : vector<16x1xi32> to vector<16xi32>
      %gather3A_565 = tpu.dynamic_gather %scan3A_489#2[%gather3A_564] in [0] : vector<16xf32>, vector<16xi32> -> vector<16xf32>
      %max3A_566 = arith.maximumf %scan3A_489#2, %gather3A_565 : vector<16xf32>
      %broadcast_in_dim3A_567 = vector.shape_cast %xor3A_10 : vector<16xi32> to vector<16x1xi32>
      %gather3A_568 = vector.shape_cast %broadcast_in_dim3A_567 : vector<16x1xi32> to vector<16xi32>
      %gather3A_569 = tpu.dynamic_gather %max3A_566[%gather3A_568] in [0] : vector<16xf32>, vector<16xi32> -> vector<16xf32>
      %max3A_570 = arith.maximumf %max3A_566, %gather3A_569 : vector<16xf32>
      %broadcast_in_dim3A_571 = vector.shape_cast %xor3A_13 : vector<16xi32> to vector<16x1xi32>
      %gather3A_572 = vector.shape_cast %broadcast_in_dim3A_571 : vector<16x1xi32> to vector<16xi32>
      %gather3A_573 = tpu.dynamic_gather %max3A_570[%gather3A_572] in [0] : vector<16xf32>, vector<16xi32> -> vector<16xf32>
      %max3A_574 = arith.maximumf %max3A_570, %gather3A_573 : vector<16xf32>
      %broadcast_in_dim3A_575 = vector.shape_cast %xor3A_16 : vector<16xi32> to vector<16x1xi32>
      %gather3A_576 = vector.shape_cast %broadcast_in_dim3A_575 : vector<16x1xi32> to vector<16xi32>
      %gather3A_577 = tpu.dynamic_gather %max3A_574[%gather3A_576] in [0] : vector<16xf32>, vector<16xi32> -> vector<16xf32>
      %max3A_578 = arith.maximumf %max3A_574, %gather3A_577 : vector<16xf32>
      %eq3A_579 = arith.cmpf oeq, %scan3A_489#2, %max3A_578 : vector<16xf32>
      %select_n3A_580 = arith.select %eq3A_579, %scan3A_489#10, %broadcast_in_dim3A_1 : vector<16xi1>, vector<16xi32>
      %broadcast_in_dim3A_581 = vector.shape_cast %xor3A_7 : vector<16xi32> to vector<16x1xi32>
      %gather3A_582 = vector.shape_cast %broadcast_in_dim3A_581 : vector<16x1xi32> to vector<16xi32>
      %gather3A_583 = tpu.dynamic_gather %select_n3A_580[%gather3A_582] in [0] : vector<16xi32>, vector<16xi32> -> vector<16xi32>
      %min3A_584 = arith.minsi %select_n3A_580, %gather3A_583 : vector<16xi32>
      %broadcast_in_dim3A_585 = vector.shape_cast %xor3A_10 : vector<16xi32> to vector<16x1xi32>
      %gather3A_586 = vector.shape_cast %broadcast_in_dim3A_585 : vector<16x1xi32> to vector<16xi32>
      %gather3A_587 = tpu.dynamic_gather %min3A_584[%gather3A_586] in [0] : vector<16xi32>, vector<16xi32> -> vector<16xi32>
      %min3A_588 = arith.minsi %min3A_584, %gather3A_587 : vector<16xi32>
      %broadcast_in_dim3A_589 = vector.shape_cast %xor3A_13 : vector<16xi32> to vector<16x1xi32>
      %gather3A_590 = vector.shape_cast %broadcast_in_dim3A_589 : vector<16x1xi32> to vector<16xi32>
      %gather3A_591 = tpu.dynamic_gather %min3A_588[%gather3A_590] in [0] : vector<16xi32>, vector<16xi32> -> vector<16xi32>
      %min3A_592 = arith.minsi %min3A_588, %gather3A_591 : vector<16xi32>
      %broadcast_in_dim3A_593 = vector.shape_cast %xor3A_16 : vector<16xi32> to vector<16x1xi32>
      %gather3A_594 = vector.shape_cast %broadcast_in_dim3A_593 : vector<16x1xi32> to vector<16xi32>
      %gather3A_595 = tpu.dynamic_gather %min3A_592[%gather3A_594] in [0] : vector<16xi32>, vector<16xi32> -> vector<16xi32>
      %min3A_596 = arith.minsi %min3A_592, %gather3A_595 : vector<16xi32>
      %convert_element_type3A_597 = arith.sitofp %min3A_596 : vector<16xi32> to vector<16xf32>
      %add3A_598 = arith.addf %add3A_562, %convert_element_type3A_597 : vector<16xf32>
      %broadcast_in_dim3A_599 = vector.shape_cast %xor3A_7 : vector<16xi32> to vector<16x1xi32>
      %gather3A_600 = vector.shape_cast %broadcast_in_dim3A_599 : vector<16x1xi32> to vector<16xi32>
      %gather3A_601 = tpu.dynamic_gather %scan3A_489#3[%gather3A_600] in [0] : vector<16xf32>, vector<16xi32> -> vector<16xf32>
      %max3A_602 = arith.maximumf %scan3A_489#3, %gather3A_601 : vector<16xf32>
      %broadcast_in_dim3A_603 = vector.shape_cast %xor3A_10 : vector<16xi32> to vector<16x1xi32>
      %gather3A_604 = vector.shape_cast %broadcast_in_dim3A_603 : vector<16x1xi32> to vector<16xi32>
      %gather3A_605 = tpu.dynamic_gather %max3A_602[%gather3A_604] in [0] : vector<16xf32>, vector<16xi32> -> vector<16xf32>
      %max3A_606 = arith.maximumf %max3A_602, %gather3A_605 : vector<16xf32>
      %broadcast_in_dim3A_607 = vector.shape_cast %xor3A_13 : vector<16xi32> to vector<16x1xi32>
      %gather3A_608 = vector.shape_cast %broadcast_in_dim3A_607 : vector<16x1xi32> to vector<16xi32>
      %gather3A_609 = tpu.dynamic_gather %max3A_606[%gather3A_608] in [0] : vector<16xf32>, vector<16xi32> -> vector<16xf32>
      %max3A_610 = arith.maximumf %max3A_606, %gather3A_609 : vector<16xf32>
      %broadcast_in_dim3A_611 = vector.shape_cast %xor3A_16 : vector<16xi32> to vector<16x1xi32>
      %gather3A_612 = vector.shape_cast %broadcast_in_dim3A_611 : vector<16x1xi32> to vector<16xi32>
      %gather3A_613 = tpu.dynamic_gather %max3A_610[%gather3A_612] in [0] : vector<16xf32>, vector<16xi32> -> vector<16xf32>
      %max3A_614 = arith.maximumf %max3A_610, %gather3A_613 : vector<16xf32>
      %eq3A_615 = arith.cmpf oeq, %scan3A_489#3, %max3A_614 : vector<16xf32>
      %select_n3A_616 = arith.select %eq3A_615, %scan3A_489#11, %broadcast_in_dim3A_1 : vector<16xi1>, vector<16xi32>
      %broadcast_in_dim3A_617 = vector.shape_cast %xor3A_7 : vector<16xi32> to vector<16x1xi32>
      %gather3A_618 = vector.shape_cast %broadcast_in_dim3A_617 : vector<16x1xi32> to vector<16xi32>
      %gather3A_619 = tpu.dynamic_gather %select_n3A_616[%gather3A_618] in [0] : vector<16xi32>, vector<16xi32> -> vector<16xi32>
      %min3A_620 = arith.minsi %select_n3A_616, %gather3A_619 : vector<16xi32>
      %broadcast_in_dim3A_621 = vector.shape_cast %xor3A_10 : vector<16xi32> to vector<16x1xi32>
      %gather3A_622 = vector.shape_cast %broadcast_in_dim3A_621 : vector<16x1xi32> to vector<16xi32>
      %gather3A_623 = tpu.dynamic_gather %min3A_620[%gather3A_622] in [0] : vector<16xi32>, vector<16xi32> -> vector<16xi32>
      %min3A_624 = arith.minsi %min3A_620, %gather3A_623 : vector<16xi32>
      %broadcast_in_dim3A_625 = vector.shape_cast %xor3A_13 : vector<16xi32> to vector<16x1xi32>
      %gather3A_626 = vector.shape_cast %broadcast_in_dim3A_625 : vector<16x1xi32> to vector<16xi32>
      %gather3A_627 = tpu.dynamic_gather %min3A_624[%gather3A_626] in [0] : vector<16xi32>, vector<16xi32> -> vector<16xi32>
      %min3A_628 = arith.minsi %min3A_624, %gather3A_627 : vector<16xi32>
      %broadcast_in_dim3A_629 = vector.shape_cast %xor3A_16 : vector<16xi32> to vector<16x1xi32>
      %gather3A_630 = vector.shape_cast %broadcast_in_dim3A_629 : vector<16x1xi32> to vector<16xi32>
      %gather3A_631 = tpu.dynamic_gather %min3A_628[%gather3A_630] in [0] : vector<16xi32>, vector<16xi32> -> vector<16xi32>
      %min3A_632 = arith.minsi %min3A_628, %gather3A_631 : vector<16xi32>
      %convert_element_type3A_633 = arith.sitofp %min3A_632 : vector<16xi32> to vector<16xf32>
      %add3A_634 = arith.addf %add3A_598, %convert_element_type3A_633 : vector<16xf32>
      %broadcast_in_dim3A_635 = vector.shape_cast %xor3A_7 : vector<16xi32> to vector<16x1xi32>
      %gather3A_636 = vector.shape_cast %broadcast_in_dim3A_635 : vector<16x1xi32> to vector<16xi32>
      %gather3A_637 = tpu.dynamic_gather %scan3A_489#4[%gather3A_636] in [0] : vector<16xf32>, vector<16xi32> -> vector<16xf32>
      %max3A_638 = arith.maximumf %scan3A_489#4, %gather3A_637 : vector<16xf32>
      %broadcast_in_dim3A_639 = vector.shape_cast %xor3A_10 : vector<16xi32> to vector<16x1xi32>
      %gather3A_640 = vector.shape_cast %broadcast_in_dim3A_639 : vector<16x1xi32> to vector<16xi32>
      %gather3A_641 = tpu.dynamic_gather %max3A_638[%gather3A_640] in [0] : vector<16xf32>, vector<16xi32> -> vector<16xf32>
      %max3A_642 = arith.maximumf %max3A_638, %gather3A_641 : vector<16xf32>
      %broadcast_in_dim3A_643 = vector.shape_cast %xor3A_13 : vector<16xi32> to vector<16x1xi32>
      %gather3A_644 = vector.shape_cast %broadcast_in_dim3A_643 : vector<16x1xi32> to vector<16xi32>
      %gather3A_645 = tpu.dynamic_gather %max3A_642[%gather3A_644] in [0] : vector<16xf32>, vector<16xi32> -> vector<16xf32>
      %max3A_646 = arith.maximumf %max3A_642, %gather3A_645 : vector<16xf32>
      %broadcast_in_dim3A_647 = vector.shape_cast %xor3A_16 : vector<16xi32> to vector<16x1xi32>
      %gather3A_648 = vector.shape_cast %broadcast_in_dim3A_647 : vector<16x1xi32> to vector<16xi32>
      %gather3A_649 = tpu.dynamic_gather %max3A_646[%gather3A_648] in [0] : vector<16xf32>, vector<16xi32> -> vector<16xf32>
      %max3A_650 = arith.maximumf %max3A_646, %gather3A_649 : vector<16xf32>
      %eq3A_651 = arith.cmpf oeq, %scan3A_489#4, %max3A_650 : vector<16xf32>
      %select_n3A_652 = arith.select %eq3A_651, %scan3A_489#12, %broadcast_in_dim3A_1 : vector<16xi1>, vector<16xi32>
      %broadcast_in_dim3A_653 = vector.shape_cast %xor3A_7 : vector<16xi32> to vector<16x1xi32>
      %gather3A_654 = vector.shape_cast %broadcast_in_dim3A_653 : vector<16x1xi32> to vector<16xi32>
      %gather3A_655 = tpu.dynamic_gather %select_n3A_652[%gather3A_654] in [0] : vector<16xi32>, vector<16xi32> -> vector<16xi32>
      %min3A_656 = arith.minsi %select_n3A_652, %gather3A_655 : vector<16xi32>
      %broadcast_in_dim3A_657 = vector.shape_cast %xor3A_10 : vector<16xi32> to vector<16x1xi32>
      %gather3A_658 = vector.shape_cast %broadcast_in_dim3A_657 : vector<16x1xi32> to vector<16xi32>
      %gather3A_659 = tpu.dynamic_gather %min3A_656[%gather3A_658] in [0] : vector<16xi32>, vector<16xi32> -> vector<16xi32>
      %min3A_660 = arith.minsi %min3A_656, %gather3A_659 : vector<16xi32>
      %broadcast_in_dim3A_661 = vector.shape_cast %xor3A_13 : vector<16xi32> to vector<16x1xi32>
      %gather3A_662 = vector.shape_cast %broadcast_in_dim3A_661 : vector<16x1xi32> to vector<16xi32>
      %gather3A_663 = tpu.dynamic_gather %min3A_660[%gather3A_662] in [0] : vector<16xi32>, vector<16xi32> -> vector<16xi32>
      %min3A_664 = arith.minsi %min3A_660, %gather3A_663 : vector<16xi32>
      %broadcast_in_dim3A_665 = vector.shape_cast %xor3A_16 : vector<16xi32> to vector<16x1xi32>
      %gather3A_666 = vector.shape_cast %broadcast_in_dim3A_665 : vector<16x1xi32> to vector<16xi32>
      %gather3A_667 = tpu.dynamic_gather %min3A_664[%gather3A_666] in [0] : vector<16xi32>, vector<16xi32> -> vector<16xi32>
      %min3A_668 = arith.minsi %min3A_664, %gather3A_667 : vector<16xi32>
      %convert_element_type3A_669 = arith.sitofp %min3A_668 : vector<16xi32> to vector<16xf32>
      %add3A_670 = arith.addf %add3A_634, %convert_element_type3A_669 : vector<16xf32>
      %broadcast_in_dim3A_671 = vector.shape_cast %xor3A_7 : vector<16xi32> to vector<16x1xi32>
      %gather3A_672 = vector.shape_cast %broadcast_in_dim3A_671 : vector<16x1xi32> to vector<16xi32>
      %gather3A_673 = tpu.dynamic_gather %scan3A_489#5[%gather3A_672] in [0] : vector<16xf32>, vector<16xi32> -> vector<16xf32>
      %max3A_674 = arith.maximumf %scan3A_489#5, %gather3A_673 : vector<16xf32>
      %broadcast_in_dim3A_675 = vector.shape_cast %xor3A_10 : vector<16xi32> to vector<16x1xi32>
      %gather3A_676 = vector.shape_cast %broadcast_in_dim3A_675 : vector<16x1xi32> to vector<16xi32>
      %gather3A_677 = tpu.dynamic_gather %max3A_674[%gather3A_676] in [0] : vector<16xf32>, vector<16xi32> -> vector<16xf32>
      %max3A_678 = arith.maximumf %max3A_674, %gather3A_677 : vector<16xf32>
      %broadcast_in_dim3A_679 = vector.shape_cast %xor3A_13 : vector<16xi32> to vector<16x1xi32>
      %gather3A_680 = vector.shape_cast %broadcast_in_dim3A_679 : vector<16x1xi32> to vector<16xi32>
      %gather3A_681 = tpu.dynamic_gather %max3A_678[%gather3A_680] in [0] : vector<16xf32>, vector<16xi32> -> vector<16xf32>
      %max3A_682 = arith.maximumf %max3A_678, %gather3A_681 : vector<16xf32>
      %broadcast_in_dim3A_683 = vector.shape_cast %xor3A_16 : vector<16xi32> to vector<16x1xi32>
      %gather3A_684 = vector.shape_cast %broadcast_in_dim3A_683 : vector<16x1xi32> to vector<16xi32>
      %gather3A_685 = tpu.dynamic_gather %max3A_682[%gather3A_684] in [0] : vector<16xf32>, vector<16xi32> -> vector<16xf32>
      %max3A_686 = arith.maximumf %max3A_682, %gather3A_685 : vector<16xf32>
      %eq3A_687 = arith.cmpf oeq, %scan3A_489#5, %max3A_686 : vector<16xf32>
      %select_n3A_688 = arith.select %eq3A_687, %scan3A_489#13, %broadcast_in_dim3A_1 : vector<16xi1>, vector<16xi32>
      %broadcast_in_dim3A_689 = vector.shape_cast %xor3A_7 : vector<16xi32> to vector<16x1xi32>
      %gather3A_690 = vector.shape_cast %broadcast_in_dim3A_689 : vector<16x1xi32> to vector<16xi32>
      %gather3A_691 = tpu.dynamic_gather %select_n3A_688[%gather3A_690] in [0] : vector<16xi32>, vector<16xi32> -> vector<16xi32>
      %min3A_692 = arith.minsi %select_n3A_688, %gather3A_691 : vector<16xi32>
      %broadcast_in_dim3A_693 = vector.shape_cast %xor3A_10 : vector<16xi32> to vector<16x1xi32>
      %gather3A_694 = vector.shape_cast %broadcast_in_dim3A_693 : vector<16x1xi32> to vector<16xi32>
      %gather3A_695 = tpu.dynamic_gather %min3A_692[%gather3A_694] in [0] : vector<16xi32>, vector<16xi32> -> vector<16xi32>
      %min3A_696 = arith.minsi %min3A_692, %gather3A_695 : vector<16xi32>
      %broadcast_in_dim3A_697 = vector.shape_cast %xor3A_13 : vector<16xi32> to vector<16x1xi32>
      %gather3A_698 = vector.shape_cast %broadcast_in_dim3A_697 : vector<16x1xi32> to vector<16xi32>
      %gather3A_699 = tpu.dynamic_gather %min3A_696[%gather3A_698] in [0] : vector<16xi32>, vector<16xi32> -> vector<16xi32>
      %min3A_700 = arith.minsi %min3A_696, %gather3A_699 : vector<16xi32>
      %broadcast_in_dim3A_701 = vector.shape_cast %xor3A_16 : vector<16xi32> to vector<16x1xi32>
      %gather3A_702 = vector.shape_cast %broadcast_in_dim3A_701 : vector<16x1xi32> to vector<16xi32>
      %gather3A_703 = tpu.dynamic_gather %min3A_700[%gather3A_702] in [0] : vector<16xi32>, vector<16xi32> -> vector<16xi32>
      %min3A_704 = arith.minsi %min3A_700, %gather3A_703 : vector<16xi32>
      %convert_element_type3A_705 = arith.sitofp %min3A_704 : vector<16xi32> to vector<16xf32>
      %add3A_706 = arith.addf %add3A_670, %convert_element_type3A_705 : vector<16xf32>
      %broadcast_in_dim3A_707 = vector.shape_cast %xor3A_7 : vector<16xi32> to vector<16x1xi32>
      %gather3A_708 = vector.shape_cast %broadcast_in_dim3A_707 : vector<16x1xi32> to vector<16xi32>
      %gather3A_709 = tpu.dynamic_gather %scan3A_489#6[%gather3A_708] in [0] : vector<16xf32>, vector<16xi32> -> vector<16xf32>
      %max3A_710 = arith.maximumf %scan3A_489#6, %gather3A_709 : vector<16xf32>
      %broadcast_in_dim3A_711 = vector.shape_cast %xor3A_10 : vector<16xi32> to vector<16x1xi32>
      %gather3A_712 = vector.shape_cast %broadcast_in_dim3A_711 : vector<16x1xi32> to vector<16xi32>
      %gather3A_713 = tpu.dynamic_gather %max3A_710[%gather3A_712] in [0] : vector<16xf32>, vector<16xi32> -> vector<16xf32>
      %max3A_714 = arith.maximumf %max3A_710, %gather3A_713 : vector<16xf32>
      %broadcast_in_dim3A_715 = vector.shape_cast %xor3A_13 : vector<16xi32> to vector<16x1xi32>
      %gather3A_716 = vector.shape_cast %broadcast_in_dim3A_715 : vector<16x1xi32> to vector<16xi32>
      %gather3A_717 = tpu.dynamic_gather %max3A_714[%gather3A_716] in [0] : vector<16xf32>, vector<16xi32> -> vector<16xf32>
      %max3A_718 = arith.maximumf %max3A_714, %gather3A_717 : vector<16xf32>
      %broadcast_in_dim3A_719 = vector.shape_cast %xor3A_16 : vector<16xi32> to vector<16x1xi32>
      %gather3A_720 = vector.shape_cast %broadcast_in_dim3A_719 : vector<16x1xi32> to vector<16xi32>
      %gather3A_721 = tpu.dynamic_gather %max3A_718[%gather3A_720] in [0] : vector<16xf32>, vector<16xi32> -> vector<16xf32>
      %max3A_722 = arith.maximumf %max3A_718, %gather3A_721 : vector<16xf32>
      %eq3A_723 = arith.cmpf oeq, %scan3A_489#6, %max3A_722 : vector<16xf32>
      %select_n3A_724 = arith.select %eq3A_723, %scan3A_489#14, %broadcast_in_dim3A_1 : vector<16xi1>, vector<16xi32>
      %broadcast_in_dim3A_725 = vector.shape_cast %xor3A_7 : vector<16xi32> to vector<16x1xi32>
      %gather3A_726 = vector.shape_cast %broadcast_in_dim3A_725 : vector<16x1xi32> to vector<16xi32>
      %gather3A_727 = tpu.dynamic_gather %select_n3A_724[%gather3A_726] in [0] : vector<16xi32>, vector<16xi32> -> vector<16xi32>
      %min3A_728 = arith.minsi %select_n3A_724, %gather3A_727 : vector<16xi32>
      %broadcast_in_dim3A_729 = vector.shape_cast %xor3A_10 : vector<16xi32> to vector<16x1xi32>
      %gather3A_730 = vector.shape_cast %broadcast_in_dim3A_729 : vector<16x1xi32> to vector<16xi32>
      %gather3A_731 = tpu.dynamic_gather %min3A_728[%gather3A_730] in [0] : vector<16xi32>, vector<16xi32> -> vector<16xi32>
      %min3A_732 = arith.minsi %min3A_728, %gather3A_731 : vector<16xi32>
      %broadcast_in_dim3A_733 = vector.shape_cast %xor3A_13 : vector<16xi32> to vector<16x1xi32>
      %gather3A_734 = vector.shape_cast %broadcast_in_dim3A_733 : vector<16x1xi32> to vector<16xi32>
      %gather3A_735 = tpu.dynamic_gather %min3A_732[%gather3A_734] in [0] : vector<16xi32>, vector<16xi32> -> vector<16xi32>
      %min3A_736 = arith.minsi %min3A_732, %gather3A_735 : vector<16xi32>
      %broadcast_in_dim3A_737 = vector.shape_cast %xor3A_16 : vector<16xi32> to vector<16x1xi32>
      %gather3A_738 = vector.shape_cast %broadcast_in_dim3A_737 : vector<16x1xi32> to vector<16xi32>
      %gather3A_739 = tpu.dynamic_gather %min3A_736[%gather3A_738] in [0] : vector<16xi32>, vector<16xi32> -> vector<16xi32>
      %min3A_740 = arith.minsi %min3A_736, %gather3A_739 : vector<16xi32>
      %convert_element_type3A_741 = arith.sitofp %min3A_740 : vector<16xi32> to vector<16xf32>
      %add3A_742 = arith.addf %add3A_706, %convert_element_type3A_741 : vector<16xf32>
      %broadcast_in_dim3A_743 = vector.shape_cast %xor3A_7 : vector<16xi32> to vector<16x1xi32>
      %gather3A_744 = vector.shape_cast %broadcast_in_dim3A_743 : vector<16x1xi32> to vector<16xi32>
      %gather3A_745 = tpu.dynamic_gather %scan3A_489#7[%gather3A_744] in [0] : vector<16xf32>, vector<16xi32> -> vector<16xf32>
      %max3A_746 = arith.maximumf %scan3A_489#7, %gather3A_745 : vector<16xf32>
      %broadcast_in_dim3A_747 = vector.shape_cast %xor3A_10 : vector<16xi32> to vector<16x1xi32>
      %gather3A_748 = vector.shape_cast %broadcast_in_dim3A_747 : vector<16x1xi32> to vector<16xi32>
      %gather3A_749 = tpu.dynamic_gather %max3A_746[%gather3A_748] in [0] : vector<16xf32>, vector<16xi32> -> vector<16xf32>
      %max3A_750 = arith.maximumf %max3A_746, %gather3A_749 : vector<16xf32>
      %broadcast_in_dim3A_751 = vector.shape_cast %xor3A_13 : vector<16xi32> to vector<16x1xi32>
      %gather3A_752 = vector.shape_cast %broadcast_in_dim3A_751 : vector<16x1xi32> to vector<16xi32>
      %gather3A_753 = tpu.dynamic_gather %max3A_750[%gather3A_752] in [0] : vector<16xf32>, vector<16xi32> -> vector<16xf32>
      %max3A_754 = arith.maximumf %max3A_750, %gather3A_753 : vector<16xf32>
      %broadcast_in_dim3A_755 = vector.shape_cast %xor3A_16 : vector<16xi32> to vector<16x1xi32>
      %gather3A_756 = vector.shape_cast %broadcast_in_dim3A_755 : vector<16x1xi32> to vector<16xi32>
      %gather3A_757 = tpu.dynamic_gather %max3A_754[%gather3A_756] in [0] : vector<16xf32>, vector<16xi32> -> vector<16xf32>
      %max3A_758 = arith.maximumf %max3A_754, %gather3A_757 : vector<16xf32>
      %eq3A_759 = arith.cmpf oeq, %scan3A_489#7, %max3A_758 : vector<16xf32>
      %select_n3A_760 = arith.select %eq3A_759, %scan3A_489#15, %broadcast_in_dim3A_1 : vector<16xi1>, vector<16xi32>
      %broadcast_in_dim3A_761 = vector.shape_cast %xor3A_7 : vector<16xi32> to vector<16x1xi32>
      %gather3A_762 = vector.shape_cast %broadcast_in_dim3A_761 : vector<16x1xi32> to vector<16xi32>
      %gather3A_763 = tpu.dynamic_gather %select_n3A_760[%gather3A_762] in [0] : vector<16xi32>, vector<16xi32> -> vector<16xi32>
      %min3A_764 = arith.minsi %select_n3A_760, %gather3A_763 : vector<16xi32>
      %broadcast_in_dim3A_765 = vector.shape_cast %xor3A_10 : vector<16xi32> to vector<16x1xi32>
      %gather3A_766 = vector.shape_cast %broadcast_in_dim3A_765 : vector<16x1xi32> to vector<16xi32>
      %gather3A_767 = tpu.dynamic_gather %min3A_764[%gather3A_766] in [0] : vector<16xi32>, vector<16xi32> -> vector<16xi32>
      %min3A_768 = arith.minsi %min3A_764, %gather3A_767 : vector<16xi32>
      %broadcast_in_dim3A_769 = vector.shape_cast %xor3A_13 : vector<16xi32> to vector<16x1xi32>
      %gather3A_770 = vector.shape_cast %broadcast_in_dim3A_769 : vector<16x1xi32> to vector<16xi32>
      %gather3A_771 = tpu.dynamic_gather %min3A_768[%gather3A_770] in [0] : vector<16xi32>, vector<16xi32> -> vector<16xi32>
      %min3A_772 = arith.minsi %min3A_768, %gather3A_771 : vector<16xi32>
      %broadcast_in_dim3A_773 = vector.shape_cast %xor3A_16 : vector<16xi32> to vector<16x1xi32>
      %gather3A_774 = vector.shape_cast %broadcast_in_dim3A_773 : vector<16x1xi32> to vector<16xi32>
      %gather3A_775 = tpu.dynamic_gather %min3A_772[%gather3A_774] in [0] : vector<16xi32>, vector<16xi32> -> vector<16xi32>
      %min3A_776 = arith.minsi %min3A_772, %gather3A_775 : vector<16xi32>
      %convert_element_type3A_777 = arith.sitofp %min3A_776 : vector<16xi32> to vector<16xf32>
      %add3A_778 = arith.addf %add3A_742, %convert_element_type3A_777 : vector<16xf32>
      scf.yield %add3A_778 : vector<16xf32>
    }
    %scan3A_29 = arith.constant 8 : i32
    %swap3A = arith.constant 0 : index
    %swap3A_30 = tpu.vector_load %arg7[%swap3A] {strides = array<i32>} : memref<16xf32, #tpu.memory_space<vmem>>, vector<16xf32>,
    %swap3A_31 = vector.shape_cast %swap3A_30 : vector<16xf32> to vector<16xf32>
    %swap3A_32 = vector.shape_cast %scan3A_28 : vector<16xf32> to vector<16xf32>
    tpu.vector_store %arg7[%swap3A], %swap3A_32 {strides = array<i32>} : memref<16xf32, #tpu.memory_space<vmem>>, vector<16xf32>,
    "tpu.region"() ({
      %run_scoped3A = tpu.sem_alloc : memref<!tpu.dma_semaphore, #tpu.memory_space<semaphore_mem>>
      %dma_start3A = arith.constant 0 : i32
      %dma_start3A_33 = tpu.memref_slice %arg4[%add3A, %dma_start3A] : memref<32x16xf32, #tpu.memory_space<hbm>> -> memref<1x16xf32, #tpu.memory_space<hbm>>
      %dma_start3A_34 = tpu.memref_squeeze %dma_start3A_33 : memref<1x16xf32, #tpu.memory_space<hbm>> -> memref<16xf32, #tpu.memory_space<hbm>>
      %dma_start3A_35 = arith.constant 0 : i32
      %dma_start3A_36 = tpu.memref_slice %arg4[%add3A, %dma_start3A_35] : memref<32x16xf32, #tpu.memory_space<hbm>> -> memref<1x16xf32, #tpu.memory_space<hbm>>
      %dma_start3A_37 = tpu.memref_squeeze %dma_start3A_36 : memref<1x16xf32, #tpu.memory_space<hbm>> -> memref<16xf32, #tpu.memory_space<hbm>>
      tpu.enqueue_dma source(%arg7 : memref<16xf32, #tpu.memory_space<vmem>>) target(%dma_start3A_37 : memref<16xf32, #tpu.memory_space<hbm>>) target_semaphore(%run_scoped3A : memref<!tpu.dma_semaphore, #tpu.memory_space<semaphore_mem>>)
      %dma_wait3A = arith.constant 0 : i32
      %dma_wait3A_38 = tpu.memref_slice %arg4[%add3A, %dma_wait3A] : memref<32x16xf32, #tpu.memory_space<hbm>> -> memref<1x16xf32, #tpu.memory_space<hbm>>
      %dma_wait3A_39 = tpu.memref_squeeze %dma_wait3A_38 : memref<1x16xf32, #tpu.memory_space<hbm>> -> memref<16xf32, #tpu.memory_space<hbm>>
      %dma_wait3A_40 = arith.constant 0 : i32
      %dma_wait3A_41 = tpu.memref_slice %arg4[%add3A, %dma_wait3A_40] : memref<32x16xf32, #tpu.memory_space<hbm>> -> memref<1x16xf32, #tpu.memory_space<hbm>>
      %dma_wait3A_42 = tpu.memref_squeeze %dma_wait3A_41 : memref<1x16xf32, #tpu.memory_space<hbm>> -> memref<16xf32, #tpu.memory_space<hbm>>
      tpu.wait_dma2 semaphore(%run_scoped3A : memref<!tpu.dma_semaphore, #tpu.memory_space<semaphore_mem>>) src(%arg7 : memref<16xf32, #tpu.memory_space<vmem>>) dst(%dma_wait3A_42 : memref<16xf32, #tpu.memory_space<hbm>>)
      tpu.yield
    }) : () -> ()
    return
  }
}

module attributes {stable_mosaic.version = 14 : i64} {
  func.func @_tc_body(%arg0: i32, %arg1: memref<1024x8xf32, #tpu.memory_space<vmem>>, %arg2: memref<8x8192xf32, #tpu.memory_space<vmem>>, %arg3: memref<1x1x128xf32, #tpu.memory_space<vmem>>) attributes {dimension_semantics = [#tpu.dimension_semantics<arbitrary>], iteration_bounds = array<i64: 12>, scalar_prefetch = 0 : i64, scratch_operands = 0 : i64, tpu.core_type = #tpu.core_type<tc>, window_params = [{transform_indices = @transform_0, window_bounds = array<i64: 1024, 8>}, {pipeline_mode = #tpu.pipeline_mode<synchronous>, transform_indices = @transform_1, window_bounds = array<i64: 8, 8192>}, {transform_indices = @transform_2, window_bounds = array<i64: 1, 1, 128>}]} {
    %get3A = arith.constant 0 : index
    %get3A_0 = arith.constant 0 : index
    %get3A_1 = vector.load %arg1[%get3A, %get3A_0] : memref<1024x8xf32, #tpu.memory_space<vmem>>, vector<1024x8xf32>
    %get3A_2 = arith.constant 0 : index
    %get3A_3 = arith.constant 0 : index
    %get3A_4 = vector.load %arg2[%get3A_2, %get3A_3] : memref<8x8192xf32, #tpu.memory_space<vmem>>, vector<8x8192xf32>
    %dot_general3A = arith.constant dense<0.000000e+00> : vector<1024x8192xf32>
    %dot_general3A_5 = tpu.matmul %get3A_1, %get3A_4, %dot_general3A {dimension_numbers = #tpu.dot_dimension_numbers<[1], [0], [0], [1], [0, 0, 1, 1], [], []>, transpose_lhs_hint = false} : vector<1024x8xf32>, vector<8x8192xf32>, vector<1024x8192xf32> -> vector<1024x8192xf32>
    %reduce_max3A = arith.constant dense<0xFF800000> : vector<1024xf32>
    %reduce_max3A_6 = vector.multi_reduction <maximumf>, %dot_general3A_5, %reduce_max3A [1] : vector<1024x8192xf32> to vector<1024xf32>
    %broadcast_in_dim3A = vector.shape_cast %reduce_max3A_6 : vector<1024xf32> to vector<1024x1xf32>
    %iota3A = tpu.iota {dimensions = array<i32: 1>} : vector<1024x8192xi32>
    %eq3A = vector.broadcast %broadcast_in_dim3A : vector<1024x1xf32> to vector<1024x8192xf32>
    %eq3A_7 = arith.cmpf oeq, %dot_general3A_5, %eq3A : vector<1024x8192xf32>
    %jit3A = arith.constant 8192 : i32
    %broadcast_in_dim3A_8 = vector.broadcast %jit3A : i32 to vector<1024x8192xi32>
    %select_n3A = arith.select %eq3A_7, %iota3A, %broadcast_in_dim3A_8 : vector<1024x8192xi1>, vector<1024x8192xi32>
    %reduce_min3A = arith.constant dense<2147483647> : vector<1024xi32>
    %reduce_min3A_9 = vector.multi_reduction <minsi>, %select_n3A, %reduce_min3A [1] : vector<1024x8192xi32> to vector<1024xi32>
    %convert_element_type3A = arith.sitofp %reduce_min3A_9 : vector<1024xi32> to vector<1024xf32>
    %reduce_sum3A = vector.shape_cast %convert_element_type3A : vector<1024xf32> to vector<1x1024xf32>
    %reduce_sum3A_10 = arith.constant dense<0.000000e+00> : vector<1xf32>
    %reduce_sum3A_11 = vector.multi_reduction <add>, %reduce_sum3A, %reduce_sum3A_10 [1] : vector<1x1024xf32> to vector<1xf32>
    %reduce_sum3A_12 = vector.shape_cast %reduce_sum3A_11 : vector<1xf32> to vector<1x1xf32>
    %reduce_sum3A_13 = vector.extract %reduce_sum3A_12[0, 0] : f32 from vector<1x1xf32>
    %broadcast_in_dim3A_14 = vector.broadcast %reduce_sum3A_13 : f32 to vector<128xf32>
    %swap3A = arith.constant 0 : index
    %swap3A_15 = arith.constant 0 : index
    %swap3A_16 = arith.constant 0 : index
    %swap3A_17 = vector.load %arg3[%swap3A, %swap3A_15, %swap3A_16] : memref<1x1x128xf32, #tpu.memory_space<vmem>>, vector<1x1x128xf32>
    %swap3A_18 = vector.shape_cast %swap3A_17 : vector<1x1x128xf32> to vector<128xf32>
    %swap3A_19 = vector.shape_cast %broadcast_in_dim3A_14 : vector<128xf32> to vector<1x1x128xf32>
    tpu.vector_store %arg3[%swap3A, %swap3A_15, %swap3A_16], %swap3A_19 {strides = array<i32>} : memref<1x1x128xf32, #tpu.memory_space<vmem>>, vector<1x1x128xf32>,
    return
  }
  func.func @transform_0(%arg0: i32) -> (i32, i32) {
    %c0_i32 = arith.constant 0 : i32
    %c0_i32_0 = arith.constant 0 : i32
    return %arg0, %c0_i32 : i32, i32
  }
  func.func @transform_1(%arg0: i32) -> (i32, i32) {
    %c0_i32 = arith.constant 0 : i32
    %c0_i32_0 = arith.constant 0 : i32
    %c0_i32_1 = arith.constant 0 : i32
    return %c0_i32, %c0_i32_0 : i32, i32
  }
  func.func @transform_2(%arg0: i32) -> (i32, i32, i32) {
    %c0_i32 = arith.constant 0 : i32
    %c0_i32_0 = arith.constant 0 : i32
    %c0_i32_1 = arith.constant 0 : i32
    return %arg0, %c0_i32, %c0_i32_0 : i32, i32, i32
  }
}

</mosaic_0001>

<sc_bundles>
// kernel: kernel.4.cloned.1.call-start
scs
__scs_entry_jumppad:
0x0: {  	(pc) =	sbr.rel $0x88, $3  }
0x1: {  	(tag) =	ssettag $0x0;
	lr =	simm.s32 $0x1  }
0x2: {  	[smem:$0x3F9F] =	sst lr;
	_ =	strace $0xD0000000  }
0x3: {  	_ = 	snop  }
0x4: {  	_ = 	snop  }
0x5: {  	_ = 	snop  }
0x6: {  	_ = 	snop  }
0x7: {  	_ = 	snop  }
__scs_overlays_trampoline_lowered:
0x8: {  	[smem:$0x3FAE] =	sst s0  }
0x9: {  	[smem:$0x3FAF] =	sst s1  }
0xa: {  	[smem:$0x3FB0] =	sst s2  }
0xb: {  	[smem:$0x3FB1] =	sst s3  }
0xc: {  	[smem:$0x3FB2] =	sst s4  }
0xd: {  	[smem:$0x3FB3] =	sst s5  }
0xe: {  	[smem:$0x3FB4] =	sst s6  }
0xf: {  	[smem:$0x3FB5] =	sst s7  }
0x10: {  	[smem:$0x3FB6] =	sst s8  }
0x11: {  	[smem:$0x3FB7] =	sst s9;
	s0 =	simm.s32 @!p0 $0x0  }
0x12: {  	s1 =	sld [smem:$0x3F9D];
	s0 =	simm.s32 @p0 $0x1  }
0x13: {  	[smem:$0x3FB8] =	sst s0;
	s0 =	simm.s32 @!p1 $0x0  }
0x14: {  	s2 =	sld [smem:$0x3F9C];
	s0 =	simm.s32 @p1 $0x1  }
0x15: {  	[smem:$0x3FB9] =	sst s0;
	s0 =	simm.s32 @!p2 $0x0  }
0x16: {  	s3 =	sld [smem:$0x3FDB];
	s0 =	simm.s32 @p2 $0x1  }
0x17: {  	s4 =	simm.s32 $0x1BF5;
	[smem:$0x3FBB] =	sst s0  }
0x18: {  	s0 =	sld [smem:$0x3F9E];
	_ =	swait.ge [sflag:s4], $0x0  }
0x19: {  	s7 =	sld [smem:$0x3F9F]  }
0x1a: {  	s8 =	sadd.s32 $0xFFFFE003, lr  }
0x1b: {  	s9 =	sadd.s32 $0xFFFFFEF7, lr;
	s5 =	simm.s32 $0xFFFFFFFF;
	p2 =	slt.u32 s8, $0xFFFFF086  }
0x1c: {  	p1 =	slt.u32 s9, $0xF7A;
	s5 =	simm.s32 @!p2 $0x0  }
0x1d: {  	s5 =	simm.s32 @p1 $0x1;
	p0 =	seq.s32 s7, s2  }
0x1e: {  	s7 =	smul.u32 @!p0 $0xF7A, s2;
	p2 =	seq.s32 @!p0 s5, $0x0  }
0x1f: {  	s9 =	smul.u32 $0xF7A, s1;
	s8 =	simm.s32 @!p0 $0x1BF5;
	p2 =	por !p2, p0  }
0x20: {  	[sflag:s8] =	ssyncset.s32 @!p0 $0xFFFFF086;
	s6 =	sadd.s32 @!p0 s3, s7;
	s7 =	simm.s32 @!p0 $0x108  }
0x21: {  	s3 =	sadd.s32 s3, s9;
	s6 =	sadd.s32 @!p0 $0x88, s6;
	s7 =	simm.s32 @p2 $0x1082  }
0x22: {  	[simem:s7], [sflag:s8] =	dma.local @!p0 [hbm:s6], $0xF7A  }
0x23: {  	s9 =	sor.u32 $0xD0000000, s2;
	s6 =	simm.s32 $0x108;
	_ =	swait.ge @!p0 [sflag:s8], $0x0  }
0x24: {  	s3 =	sadd.s32 $0x88, s3;
	s6 =	simm.s32 @!p1 $0x1082;
	[sflag:s4] =	ssyncset.s32 $0xFFFFF086  }
0x25: {  	[simem:s6], [sflag:s4] =	dma.local [hbm:s3], $0xF7A  }
0x26: {  	[smem:$0x3F9F] =	sst s1;
	(tag) =	ssettag s2;
	_ =	strace s9  }
0x27: {  	s1 =	sld [smem:$0x3FAF]  }
0x28: {  	s2 =	sld [smem:$0x3FB0]  }
0x29: {  	s4 =	sld [smem:$0x3FB2]  }
0x2a: {  	p0 =	seq.s32 s5, $0x0;
	s5 =	sld [smem:$0x3FB3]  }
0x2b: {  	s6 =	sld [smem:$0x3FB4]  }
0x2c: {  	s7 =	sld [smem:$0x3FB5]  }
0x2d: {  	s3 =	simm.s32 $0x108;
	s8 =	sld [smem:$0x3FB6]  }
0x2e: {  	s3 =	simm.s32 @!p0 $0x1082;
	s9 =	sld [smem:$0x3FB7]  }
0x2f: {  	lr =	sadd.s32 s0, s3;
	s0 =	sld [smem:$0x3FAE]  }
0x30: {  	s3 =	sld [smem:$0x3FB1]  }
0x31: {  	[smem:$0x3FBA] =	sst s10  }
0x32: {  	s10 =	sld [smem:$0x3FB8];
	_ =	sdelay $0x3  }
0x33: {  	p0 =	seq.s32 s10, $0x1;
	s10 =	sld [smem:$0x3FBA];
	_ =	sdelay $0x3  }
0x34: {  	[smem:$0x3FBA] =	sst s10  }
0x35: {  	s10 =	sld [smem:$0x3FB9];
	_ =	sdelay $0x3  }
0x36: {  	p1 =	seq.s32 s10, $0x1;
	s10 =	sld [smem:$0x3FBA];
	_ =	sdelay $0x3  }
0x37: {  	[smem:$0x3FBA] =	sst s10  }
0x38: {  	s10 =	sld [smem:$0x3FBB]  }
0x39: {  	_ = 	snop;
	(pc) =	sbr.ind lr, $3  }
0x3a: {  	_ = 	snop  }
0x3b: {  	_ = 	snop  }
0x3c: {  	p2 =	seq.s32 s10, $0x1;
	s10 =	sld [smem:$0x3FBA]  }
0x3d: {  	_ =	shalt  }
0x3e: {  	_ =	shalt  }
0x3f: {  	_ =	shalt  }
0x40: {  	_ =	shalt  }
0x41: {  	_ =	shalt  }
0x42: {  	_ =	shalt  }
0x43: {  	_ =	shalt  }
0x44: {  	_ =	shalt  }
0x45: {  	_ =	shalt  }
0x46: {  	_ =	shalt  }
0x47: {  	_ =	shalt  }
0x48: {  	_ =	shalt  }
0x49: {  	_ =	shalt  }
0x4a: {  	_ =	shalt  }
0x4b: {  	_ =	shalt  }
0x4c: {  	_ =	shalt  }
0x4d: {  	_ =	shalt  }
0x4e: {  	_ =	shalt  }
0x4f: {  	_ =	shalt  }
0x50: {  	_ =	shalt  }
0x51: {  	_ =	shalt  }
0x52: {  	_ =	shalt  }
0x53: {  	_ =	shalt  }
0x54: {  	_ =	shalt  }
0x55: {  	_ =	shalt  }
0x56: {  	_ =	shalt  }
0x57: {  	_ =	shalt  }
0x58: {  	_ =	shalt  }
0x59: {  	_ =	shalt  }
0x5a: {  	_ =	shalt  }
0x5b: {  	_ =	shalt  }
0x5c: {  	_ =	shalt  }
0x5d: {  	_ =	shalt  }
0x5e: {  	_ =	shalt  }
0x5f: {  	_ =	shalt  }
0x60: {  	_ =	shalt  }
0x61: {  	_ =	shalt  }
0x62: {  	_ =	shalt  }
0x63: {  	_ =	shalt  }
0x64: {  	_ =	shalt  }
0x65: {  	_ =	shalt  }
0x66: {  	_ =	shalt  }
0x67: {  	_ =	shalt  }
0x68: {  	_ =	shalt  }
0x69: {  	_ =	shalt  }
0x6a: {  	_ =	shalt  }
0x6b: {  	_ =	shalt  }
0x6c: {  	_ =	shalt  }
0x6d: {  	_ =	shalt  }
0x6e: {  	_ =	shalt  }
0x6f: {  	_ =	shalt  }
0x70: {  	_ =	shalt  }
0x71: {  	_ =	shalt  }
0x72: {  	_ =	shalt  }
0x73: {  	_ =	shalt  }
0x74: {  	_ =	shalt  }
0x75: {  	_ =	shalt  }
0x76: {  	_ =	shalt  }
0x77: {  	_ =	shalt  }
0x78: {  	_ =	shalt  }
0x79: {  	_ =	shalt  }
0x7a: {  	_ =	shalt  }
0x7b: {  	_ =	shalt  }
0x7c: {  	_ =	shalt  }
0x7d: {  	_ =	shalt  }
0x7e: {  	_ =	shalt  }
0x7f: {  	_ =	shalt  }
0x80: {  	_ =	shalt  }
0x81: {  	_ =	shalt  }
0x82: {  	_ =	shalt  }
0x83: {  	_ =	shalt  }
0x84: {  	_ =	shalt  }
0x85: {  	_ =	shalt  }
0x86: {  	_ =	shalt  }
0x87: {  	_ =	shalt  }
.Lfunc_end0:
.L_simem_size_0:
called_computation_lowered:
.L_overlay_start_0:
0x88: {  	s2 =	sld [smem:$0x3FD9]  }
0x89: {  	s3 =	sld [smem:$0x3FFE];
	_ =	sdelay $0x1  }
0x8a: {  	s1 =	srdreg.scid  }
0x8b: {  	s0 =	sand.u32 $0x1, s1  }
0x8c: {  	s17 =	sshll.u32 s0, $0xA;
	s2 =	sadd.s32 s3, s2  }
0x8d: {  	s2 =	sadd.s32 s2, s17  }
0x8e: {  	[smem:$0x3FC6] =	sst s2  }
0x8f: {  	_ = 	snop  }
0x90: {  	s2 =	sld [smem:$0x3FC8];
	(tm) =	ssettm $0x1  }
0x91: {  	s18 =	sld [smem:$0x3FFB];
	_ =	sdelay $0x3  }
0x92: {  	_ =	strace s18  }
0x93: {  	s3 =	sld [smem:$0x3FFC];
	_ =	sdelay $0x3  }
0x94: {  	_ =	strace s3  }
0x95: {  	s3 =	sld [smem:$0x3FFD];
	_ =	sdelay $0x3  }
0x96: {  	_ =	strace s3  }
0x97: {  	_ =	strace $0x8FFFFFFF  }
0x98: {  	s19 =	sld [smem:$0x3FDB];
	_ =	sdelay $0x1  }
0x99: {  	s4 =	simm.s32 $_scs_section_size  }
0x9a: {  	s5 =	simm.s32 $_size__tile_overlayer_lowered;
	s6 =	simm.s32 $_tile_overlayer_lowered  }
0x9b: {  	s22 =	simm.s32 $0x1BFF;
	s21 =	sshll.u32 s6, $0x1;
	s3 =	sadd.s32 s4, s19  }
0x9c: {  	s7 =	simm.s32 $0x0;
	s20 =	sshll.u32 s5, $0x1;
	s5 =	sadd.s32 s21, s3  }
0x9d: {  	[timem:s7], [sflag:s22] =	dma.local [hbm:s5], s20  }
0x9e: {  	_ =	swait.ge [sflag:s22], s20  }
0x9f: {  	s4 =	ssub.s32 $0x0, s20;
	[sflag:s22] =	ssyncset.done $0x0  }
0xa0: {  	[sflag:s22] =	ssyncadd.s32 s4;
	_ =	sdelay $0x1  }
0xa1: {  	s23 =	simm.s32 $0x1B8B  }
0xa2: {  	_ =	swait.ge [sflag:s23], $0x1  }
0xa3: {  	[sflag:s23] =	ssyncset.done $0x0  }
0xa4: {  	s25 =	simm.s32 $0x1B8E;
	s24 =	sld [smem:$0x3FFE];
	[sflag:s23] =	ssyncadd.s32 $0xFFFFFFFF  }
0xa5: {  	s26 =	simm.s32 $execute0_lowered;
	[smem:$0x3FD2] =	sst s25  }
0xa6: {  	s5 =	sshll.u32 s26, $0x1;
	_ =	strace $0x80000046;
	[dreg:$0x1] =	wrdreg $0xFFFFFFFF  }
0xa7: {  	s28 =	simm.s32 $_size_execute0_lowered;
	s3 =	sadd.s32 s3, s5;
	[dreg:$0x0] =	wrdreg $0x0  }
0xa8: {  	s5 =	sshll.u32 s28, $0x1;
	[dreg:$0x2] =	wrdreg s3  }
0xa9: {  	[dreg:$0x3] =	wrdreg s5  }
0xaa: {  	[dreg:$0x4] =	wrdreg $0xC0  }
0xab: {  	_ =	task [dreg:s7], $0x5FFFF  }
0xac: {  	[dreg:$0x1] =	wrdreg $0xFFFFFFFF  }
0xad: {  	[dreg:$0x0] =	wrdreg $0x60  }
0xae: {  	[dreg:$0x2] =	wrdreg s24  }
0xaf: {  	[dreg:$0x3] =	wrdreg s2  }
0xb0: {  	[dreg:$0x4] =	wrdreg $0x9  }
0xb1: {  	_ =	task.clear_ibuf [dreg:s7], $0x5FFFF;
	_ =	strace $0x90000046  }
0xb2: {  	s29 =	simm.s32 $0x9;
	_ =	strace $0x80000048  }
0xb3: {  	_ =	swait.ge [sflag:s29], $0x1  }
0xb4: {  	[sflag:s29] =	ssyncadd.s32 $0xFFFFFFFF  }
0xb5: {  	_ =	strace $0x90000048  }
0xb6: {  	_ =	sfence  }
0xb7: {  	s30 =	sld [smem:$0x0];
	_ =	sdelay $0x2  }
0xb8: {  	s31 =	sshll.u32 s1, $0xD;
	s1 =	sshrl.u32 s1, $0x2  }
0xb9: {  	s3 =	sand.u32 $0x4000, s31;
	s1 =	sadd.s32 s1, s30  }
0xba: {  	s0 =	sor.u32 s3, s0;
	s1 =	sshll.u32 s1, $0x11  }
0xbb: {  	s0 =	sor.u32 s1, s0  }
0xbc: {  	s0 =	sadd.s32 $0x8F2B, s0  }
0xbd: {  	[sflag:s0] =	ssyncadd.remote.s32 $0x1  }
0xbe: {  	_ =	sfence.sel $0xFFFF  }
0xbf: {  	[dreg:$0x0] =	wrdreg $0xFFFFFFFF;
	(pc) =	sbr.abs _section_cstart, $3  }
0xc0: {  	[dreg:$0x1] =	wrdreg $0xFFFFFFFF  }
0xc1: {  	_ =	task.clear_ibuf [dreg:s7], $0x2FFFF;
	_ =	strace $0x9FFFFFFF  }
0xc2: {  	(tm) =	ssettm $0x7FFFFFFF  }
0xc3: {  	_ =	shalt  }
tec
execute0_lowered:
.L_overlay_start_1:
0x0: {  	(tag) =	ssettag $0x1  }
0x1: {  	v0 =	vimm.s32 $0xEFCDAB89;
	v1 =	vimm.s32 $0x67452301  }
0x2: {  	v2 =	vimm.s32 $0xDCFE98BA;
	v3 =	vimm.s32 $0x54761032;
	v4 =	vimm.s32 $0xBA98FEDC  }
0x3: {  	v5 =	vimm.s32 $0x32107654;
	v6 =	vimm.s32 $0xFEDCBA98;
	v7 =	vimm.s32 $0x76543210  }
0x4: {  	v0 =	vunpack.c.l.s4.s8 v0;
	v1 =	vunpack.c.l.s4.s8 v1;
	v2 =	vunpack.c.l.s4.s8 v2  }
0x5: {  	s4 =	rddreg [dreg:$0x0];
	v3 =	vunpack.c.l.s4.s8 v3;
	v4 =	vunpack.c.l.s4.s8 v4;
	v5 =	vunpack.c.l.s4.s8 v5  }
0x6: {  	s1 =	rddreg [dreg:$0x1];
	v6 =	vunpack.c.l.s4.s8 v6;
	v0 =	vunpack.c.0.s8.s32 v0;
	v1 =	vunpack.c.0.s8.s32 v1  }
0x7: {  	s0 =	rddreg [dreg:$0x2];
	v7 =	vunpack.c.l.s4.s8 v7;
	v2 =	vunpack.c.0.s8.s32 v2;
	v3 =	vunpack.c.0.s8.s32 v3  }
0x8: {  	s3 =	simm.s32 $0x0;
	s5 =	srdreg.scid;
	s2 =	stileid.u32;
	v4 =	vunpack.c.0.s8.s32 v4;
	v5 =	vunpack.c.0.s8.s32 v5;
	v1 =	vcombine.low v1, v0  }
0x9: {  	s9 =	simm.s32 $0x8200;
	s5 =	sand.u32 $0x1, s5;
	s6 =	sshll.u32 s2, $0x1;
	v6 =	vunpack.c.0.s8.s32 v6;
	v2 =	vcombine.low v3, v2  }
0xa: {  	s10 =	simm.s32 $0x0;
	[smem:$0x7FF] =	sst s3;
	s6 =	sor.u32 s5, s6;
	v63 =	vunpack.c.0.s8.s32 v7;
	v3 =	vcombine.low v5, v4;
	v1 =	vand.u32 $0xF, v1  }
0xb: {  	_ =	strace $0x80000047;
	s5 =	ssub.s32 $0x2, s5;
	s7 =	sshll.u32 s6, $0x4;
	v2 =	vand.u32 $0xF, v2;
	[tilespmem:$0x1FFC0] =	vst v1;
	v1 =	vand.u32 $0xF, v6  }
0xc: {  	s8 =	sshrl.u32 s5, $0x1;
	s6 =	sshll.u32 s6, $0x6;
	s7 =	sadd.s32 s7, s4;
	[tilespmem:$0x1FFD0] =	vst v2;
	v2 =	vand.u32 $0xF, v3;
	v1 =	vcombine.low v1, v63  }
0xd: {  	s8 =	ssub.s32 s5, s8;
	s4 =	sadd.s32 s4, s6;
	s5 =	sadd.s32 $0x800, s7;
	[tilespmem:$0x1FFE0] =	vst v2  }
0xe: {  	s6 =	smax.u32 s8, $0x1;
	s7 =	simm.s32 $0x1;
	v0 =	vlaneseq.u32;
	s8 =	simm.s32 $0x8000;
	[tilespmem:$0x1FFF0] =	vst v1  }
.LBB2_1:
0xf: {  	s11 =	simm.s32 $0x40  }
0x10: {  	s14 =	sadd.s32 $0x0, s1;
	s12 =	simm.s32 $0x200;
	s13 =	simm.s32 $0x0  }
.LBB2_2:
0x11: {  	[tilespmem:s13], [sflag:$0x1] =	stream.linear.gather [hbm4b:s14+s3], $0x180, $0x38;
	[tilespmem:$0x8280] =	vst v63  }
0x12: {  	s14 =	smov.u32 s11;
	s13 =	smov.u32 s12;
	p0 =	sne.s32 s11, $0xFC0  }
.Ltmp0:
0x13: {  	s11 =	sadd.s32 $0x40, s11;
	(pc) =	sbr.rel @p0 .LBB2_2-.Ltmp0, $2  }
0x14: {  	_ =	sdelay $0x2  }
0x15: {  	s12 =	sadd.s32 $0x200, s12;
	s14 =	sadd.s32 s14, s1  }
0x16: {  	[tilespmem:s13], [sflag:$0x1] =	stream.linear.gather [hbm4b:s14+s3], $0x180, $0x38;
	[tilespmem:$0x8280] =	vst v63  }
0x17: {  	_ =	swait.ge [sflag:s7], $0x6000  }
0x18: {  	[sflag:s7] =	ssyncset.done $0x0  }
0x19: {  	s11 =	simm.s32 $0x0;
	[sflag:s7] =	ssyncadd.s32 $0xFFFFA000  }
0x1a: {  	[tilespmem:s8], [sflag:$0x1] =	stream.linear.gather [hbm4b:s4+s11], $0x180, $0x38;
	[tilespmem:$0x8280] =	vst v63  }
0x1b: {  	_ =	swait.ge [sflag:s7], $0x180  }
0x1c: {  	s12 =	sand.u32 $0x70, s11;
	s29 =	sand.u32 $0x7E00, s11;
	[sflag:s7] =	ssyncset.done $0x0  }
0x1d: {  	s12 =	sor.u32 s12, s29;
	[sflag:s7] =	ssyncadd.s32 $0xFFFFFE80  }
0x1e: {  	v1 =	vld [tilespmem:s12+$0x0]  }
0x1f: {  	v2 =	vld [tilespmem:s12+$0x80];
	_ =	sdelay $0x1  }
0x20: {  	s30 =	simm.s32 $0x10;
	s31 =	simm.s32 $0x40;
	v3 =	vld [tilespmem:s12+$0x100]  }
0x21: {  	s13 =	sand.u32 $0x70, s30;
	s14 =	sand.u32 $0x7E00, s31  }
0x22: {  	s13 =	sor.u32 s13, s14  }
0x23: {  	v5 =	vmul.f32 v1, v1;
	v1 =	vld [tilespmem:s13+$0x0];
	v6 =	vmul.f32 v2, v2  }
0x24: {  	v2 =	vld [tilespmem:s13+$0x80]  }
0x25: {  	v5 =	vadd.f32 v6, v5;
	v6 =	vmul.f32 v3, v3  }
0x26: {  	s15 =	simm.s32 $0x80;
	s14 =	simm.s32 $0x20;
	v3 =	vld [tilespmem:s13+$0x100]  }
.LBB2_4:
0x27: {  	s16 =	sand.u32 $0x70, s14;
	s17 =	sand.u32 $0x7E00, s15;
	v5 =	vadd.f32 v6, v5;
	p0 =	sne.s32 s14, $0x1FF0  }
.Ltmp1:
0x28: {  	s14 =	sadd.s32 $0x10, s14;
	s16 =	sor.u32 s16, s17;
	v6 =	vmul.f32 v1, v1;
	(pc) =	sbr.rel @p0 .LBB2_4-.Ltmp1, $4  }
0x29: {  	v1 =	vld [tilespmem:s16+$0x0];
	v7 =	vmul.f32 v2, v2;
	v8 =	vmul.f32 $-5.000000000e-01, v5  }
0x2a: {  	v2 =	vld [tilespmem:s16+$0x80]  }
0x2b: {  	v5 =	vadd.f32 v7, v6;
	v6 =	vmul.f32 v3, v3;
	[tilespmem:s12+$0x180] =	vst v8;
	s12 =	smov.u32 s13;
	s13 =	smov.u32 s16  }
0x2c: {  	s15 =	sadd.s32 $0x40, s15;
	v3 =	vld [tilespmem:s13+$0x100]  }
0x2d: {  	_ =	sdelay $0x1  }
0x2e: {  	v1 =	vmul.f32 v1, v1;
	v2 =	vmul.f32 v2, v2;
	_ =	sdelay $0x1  }
0x2f: {  	v1 =	vadd.f32 v2, v1;
	v2 =	vmul.f32 v3, v3  }
0x30: {  	v3 =	vadd.f32 v6, v5  }
0x31: {  	v1 =	vadd.f32 v2, v1  }
0x32: {  	v2 =	vmul.f32 $-5.000000000e-01, v3  }
0x33: {  	v1 =	vmul.f32 $-5.000000000e-01, v1  }
0x34: {  	[tilespmem:s12+$0x180] =	vst v2  }
0x35: {  	[tilespmem:s13+$0x180] =	vst v1;
	v1 =	vimm.f32 $0.0e+00  }
.LBB2_6:
0x36: {  	s12 =	sshll.u32 s11, $0x4  }
0x37: {  	v8 =	vld [tilespmem:s12+$0x8000]  }
0x38: {  	[tilespmem:$0x1FFA0] =	vst v1;
	v1 =	vld [tilespmem:s12+$0x8080]  }
0x39: {  	v7 =	vld [tilespmem:s12+$0x8100];
	_ =	sdelay $0x3  }
0x3a: {  	v26 =	vbroadcast v8, $0x0  }
0x3b: {  	v28 =	vbroadcast v1, $0x0;
	v29 =	vbroadcast v7, $0x0  }
0x3c: {  	v44 =	vimm.f32 $-Inf;
	v30 =	vbroadcast v8, $0x1;
	v31 =	vbroadcast v1, $0x1  }
0x3d: {  	v13 =	vimm.s32 $0x0;
	v32 =	vbroadcast v7, $0x1;
	v33 =	vbroadcast v8, $0x2  }
0x3e: {  	v45 =	vimm.f32 $-Inf;
	s12 =	simm.s32 $0x0;
	v35 =	vbroadcast v1, $0x2;
	v38 =	vbroadcast v7, $0x2  }
0x3f: {  	v36 =	vimm.f32 $-Inf;
	s13 =	sand.u32 $0x70, s12;
	s14 =	sand.u32 $0x7E00, s12;
	v39 =	vbroadcast v8, $0x3;
	v41 =	vbroadcast v1, $0x3  }
0x40: {  	v37 =	vimm.f32 $-Inf;
	s13 =	sor.u32 s13, s14;
	v19 =	vbroadcast v7, $0x3;
	v47 =	vbroadcast v8, $0x4  }
0x41: {  	v34 =	vimm.f32 $-Inf;
	v27 =	vld [tilespmem:s13+$0x100];
	v40 =	vbroadcast v1, $0x4;
	v23 =	vbroadcast v7, $0x4  }
0x42: {  	v24 =	vimm.f32 $-Inf;
	v48 =	vbroadcast v8, $0x5;
	v42 =	vbroadcast v1, $0x5  }
0x43: {  	v25 =	vimm.f32 $-Inf;
	v5 =	vld [tilespmem:s13+$0x80];
	v20 =	vbroadcast v7, $0x5;
	v50 =	vbroadcast v8, $0x6  }
0x44: {  	v18 =	vimm.f32 $-Inf;
	v43 =	vbroadcast v1, $0x6;
	v21 =	vbroadcast v7, $0x6  }
0x45: {  	v17 =	vimm.s32 $0x0;
	v54 =	vld [tilespmem:s13+$0x0];
	v49 =	vbroadcast v8, $0x7;
	v46 =	vbroadcast v1, $0x7  }
0x46: {  	v16 =	vimm.s32 $0x0;
	v22 =	vbroadcast v7, $0x7;
	v53 =	vmul.f32 v27, v29  }
0x47: {  	v15 =	vimm.s32 $0x0;
	v59 =	vld [tilespmem:s13+$0x180];
	v52 =	vmul.f32 v27, v32;
	v51 =	vmul.f32 v27, v38  }
0x48: {  	v14 =	vimm.s32 $0x0;
	v56 =	vmul.f32 v5, v28;
	v57 =	vmul.f32 v5, v31  }
0x49: {  	v11 =	vimm.s32 $0x0;
	v55 =	vmul.f32 v5, v35;
	v58 =	vmul.f32 v5, v41  }
0x4a: {  	v12 =	vimm.s32 $0x0;
	v3 =	vmul.f32 v54, v26;
	v10 =	vmul.f32 v54, v30  }
0x4b: {  	v9 =	vor.u32 s12, v0;
	[tilespmem:$0x1FFB0] =	vst v1;
	v63 =	vmul.f32 v54, v33;
	v1 =	vmul.f32 v54, v39  }
0x4c: {  	v2 =	vmul.f32 v54, v47;
	v62 =	vmul.f32 v54, v48;
	v60 =	vadd.f32 v59, v3  }
0x4d: {  	s13 =	simm.s32 $0x10;
	v61 =	vadd.f32 v59, v10;
	v3 =	vmul.f32 v54, v50;
	v10 =	vimm.s32 $0x0  }
.LBB2_7:
0x4e: {  	p0 =	sne.s32 s13, $0x1FF0;
	v63 =	vadd.f32 v59, v63;
	v1 =	vadd.f32 v59, v1;
	v54 =	vmul.f32 v54, v49  }
0x4f: {  	v2 =	vadd.f32 v59, v2;
	v4 =	vmul.f32 v5, v40;
	v62 =	vadd.f32 v59, v62  }
0x50: {  	v6 =	vmul.f32 v5, v42;
	v3 =	vadd.f32 v59, v3;
	v54 =	vadd.f32 v59, v54  }
0x51: {  	v56 =	vadd.f32 v60, v56;
	v57 =	vadd.f32 v61, v57;
	v59 =	vmul.f32 v5, v43  }
0x52: {  	v55 =	vadd.f32 v63, v55;
	v1 =	vadd.f32 v1, v58;
	v5 =	vmul.f32 v5, v46  }
0x53: {  	v58 =	vmul.f32 v27, v19;
	v2 =	vadd.f32 v2, v4;
	v4 =	vadd.f32 v62, v6  }
0x54: {  	v6 =	vmul.f32 v27, v23;
	v3 =	vadd.f32 v3, v59;
	v5 =	vadd.f32 v54, v5  }
0x55: {  	v53 =	vadd.f32 v56, v53;
	v52 =	vadd.f32 v57, v52;
	v54 =	vmul.f32 v27, v20  }
0x56: {  	v51 =	vadd.f32 v55, v51;
	v1 =	vadd.f32 v1, v58;
	v55 =	vmul.f32 v27, v21  }
0x57: {  	s12 =	sadd.s32 $0x40, s12;
	v2 =	vadd.f32 v2, v6;
	v6 =	vmul.f32 v27, v22;
	v4 =	vadd.f32 v4, v54  }
0x58: {  	s14 =	sand.u32 $0x70, s13;
	s15 =	sand.u32 $0x7E00, s12;
	vm0 =	vgt.f32 v53, v44;
	vm1 =	vgt.f32 v52, v45;
	v3 =	vadd.f32 v3, v55  }
0x59: {  	s14 =	sor.u32 s14, s15;
	v44 =	vsel vm0, v53, v44;
	v45 =	vsel vm1, v52, v45;
	v6 =	vadd.f32 v5, v6  }
0x5a: {  	vm2 =	vgt.f32 v51, v36;
	vm3 =	vgt.f32 v1, v37;
	vm4 =	vgt.f32 v2, v34;
	v27 =	vld [tilespmem:s14+$0x100]  }
0x5b: {  	v36 =	vsel vm2, v51, v36;
	v37 =	vsel vm3, v1, v37;
	v34 =	vsel vm4, v2, v34  }
0x5c: {  	vm5 =	vgt.f32 v4, v24;
	vm6 =	vgt.f32 v3, v25;
	vm7 =	vgt.f32 v6, v18;
	v5 =	vld [tilespmem:s14+$0x80]  }
0x5d: {  	v24 =	vsel vm5, v4, v24;
	v25 =	vsel vm6, v3, v25;
	v18 =	vsel vm7, v6, v18  }
0x5e: {  	v13 =	vsel vm0, v9, v13;
	v17 =	vsel vm1, v9, v17;
	v16 =	vsel vm2, v9, v16;
	v54 =	vld [tilespmem:s14+$0x0]  }
0x5f: {  	v15 =	vsel vm3, v9, v15;
	v14 =	vsel vm4, v9, v14;
	v53 =	vmul.f32 v27, v29  }
0x60: {  	v11 =	vsel vm5, v9, v11;
	v52 =	vmul.f32 v27, v32;
	v51 =	vmul.f32 v27, v38  }
0x61: {  	v12 =	vsel vm6, v9, v12;
	v59 =	vld [tilespmem:s14+$0x180];
	v56 =	vmul.f32 v5, v28;
	v57 =	vmul.f32 v5, v31  }
.Ltmp2:
0x62: {  	v10 =	vsel vm7, v9, v10;
	v55 =	vmul.f32 v5, v35;
	v58 =	vmul.f32 v5, v41;
	(pc) =	sbr.rel @p0 .LBB2_7-.Ltmp2, $4  }
0x63: {  	v3 =	vmul.f32 v54, v26;
	v4 =	vmul.f32 v54, v30  }
0x64: {  	v63 =	vmul.f32 v54, v33;
	v1 =	vmul.f32 v54, v39  }
0x65: {  	v9 =	vor.u32 s13, v0;
	v2 =	vmul.f32 v54, v47;
	v62 =	vmul.f32 v54, v48  }
0x66: {  	s13 =	sadd.s32 $0x10, s13;
	v60 =	vadd.f32 v59, v3;
	v61 =	vadd.f32 v59, v4;
	v3 =	vmul.f32 v54, v50  }
0x67: {  	v4 =	vadd.f32 v59, v63;
	v6 =	vmul.f32 v54, v49;
	v26 =	vmul.f32 v5, v40  }
0x68: {  	v29 =	vmul.f32 v5, v42;
	v32 =	vmul.f32 v5, v43;
	v30 =	vadd.f32 v60, v56  }
0x69: {  	v2 =	vadd.f32 v59, v2;
	v5 =	vmul.f32 v5, v46;
	v19 =	vmul.f32 v27, v19  }
0x6a: {  	v23 =	vmul.f32 v27, v23;
	v20 =	vmul.f32 v27, v20;
	v30 =	vadd.f32 v30, v53  }
0x6b: {  	v28 =	vadd.f32 v59, v62;
	v43 =	vbroadcast v8, $0x8;
	v47 =	vbroadcast v7, $0x8  }
0x6c: {  	v48 =	vbroadcast v8, $0x9;
	v33 =	vbroadcast v7, $0xB;
	vm1 =	vgt.f32 v30, v44  }
0x6d: {  	v2 =	vadd.f32 v2, v26;
	v26 =	vadd.f32 v28, v29;
	v28 =	vsel vm1, v30, v44;
	v30 =	vld [tilespmem:$0x1FFC0]  }
0x6e: {  	v1 =	vadd.f32 v59, v1;
	v35 =	vbroadcast v7, $0xD;
	v62 =	vbroadcast v8, $0xE  }
0x6f: {  	v39 =	vbroadcast v7, $0xF;
	v63 =	vimm.f32 $-Inf;
	v3 =	vadd.f32 v59, v3  }
0x70: {  	v54 =	vimm.f32 $-Inf;
	v31 =	vadd.f32 v61, v57;
	v20 =	vadd.f32 v26, v20;
	v26 =	vld [tilespmem:$0x1FFD0]  }
0x71: {  	v50 =	vimm.f32 $-Inf;
	v6 =	vadd.f32 v59, v6;
	v1 =	vadd.f32 v1, v58  }
0x72: {  	v4 =	vadd.f32 v4, v55;
	v3 =	vadd.f32 v3, v32;
	v29 =	vperm.xlane v28, v30  }
0x73: {  	v1 =	vadd.f32 v1, v19;
	v19 =	vmul.f32 v27, v21;
	v21 =	vmul.f32 v27, v22;
	v27 =	vld [tilespmem:$0x1FFE0]  }
0x74: {  	v5 =	vadd.f32 v6, v5;
	v6 =	vadd.f32 v31, v52;
	v22 =	vmax.f32 v28, v29  }
0x75: {  	v4 =	vadd.f32 v4, v51;
	v3 =	vadd.f32 v3, v19;
	v19 =	vperm.xlane v22, v26  }
0x76: {  	v2 =	vadd.f32 v2, v23;
	vm5 =	vgt.f32 v6, v45;
	v5 =	vadd.f32 v5, v21;
	v29 =	vld [tilespmem:$0x1FFF0]  }
0x77: {  	vm7 =	vgt.f32 v4, v36;
	vm6 =	vgt.f32 v1, v37;
	v19 =	vmax.f32 v22, v19  }
0x78: {  	vm2 =	vgt.f32 v2, v34;
	vm3 =	vgt.f32 v20, v24;
	v21 =	vperm.xlane v19, v27  }
0x79: {  	v13 =	vsel vm1, v9, v13;
	v6 =	vsel vm5, v6, v45;
	v4 =	vsel vm7, v4, v36  }
0x7a: {  	v1 =	vsel vm6, v1, v37;
	v22 =	vperm.xlane v6, v30;
	v19 =	vmax.f32 v19, v21  }
0x7b: {  	v2 =	vsel vm2, v2, v34;
	v20 =	vsel vm3, v20, v24;
	v21 =	vperm.xlane v19, v29  }
0x7c: {  	v17 =	vsel vm5, v9, v17;
	v23 =	vperm.xlane v4, v30;
	v22 =	vmax.f32 v6, v22  }
0x7d: {  	v16 =	vsel vm7, v9, v16;
	v24 =	vperm.xlane v22, v26;
	v19 =	vmax.f32 v19, v21  }
0x7e: {  	vm0 =	vgt.f32 v5, v18;
	v21 =	vmax.f32 v4, v23;
	vm9 =	veq.f32 v28, v19  }
0x7f: {  	v19 =	vmax.f32 v22, v24;
	v22 =	vperm.xlane v21, v26;
	v13 =	vnsel vm9, $0x40000000, v13  }
0x80: {  	v5 =	vsel vm0, v5, v18;
	v18 =	vperm.xlane v19, v27;
	v23 =	vperm.xlane v13, v30  }
0x81: {  	v15 =	vsel vm6, v9, v15;
	v14 =	vsel vm2, v9, v14;
	v21 =	vmax.f32 v21, v22  }
0x82: {  	v18 =	vmax.f32 v19, v18;
	v19 =	vperm.xlane v21, v27;
	vm1 =	vlt.s32 v13, v23  }
0x83: {  	v11 =	vsel vm3, v9, v11;
	v22 =	vperm.xlane v18, v29;
	v13 =	vsel vm1, v13, v23  }
0x84: {  	vm4 =	vgt.f32 v3, v25;
	v19 =	vmax.f32 v21, v19;
	v21 =	vperm.xlane v13, v26  }
0x85: {  	v3 =	vsel vm4, v3, v25;
	v18 =	vmax.f32 v18, v22;
	v22 =	vperm.xlane v19, v29  }
0x86: {  	v12 =	vsel vm4, v9, v12;
	vm10 =	veq.f32 v6, v18;
	vm11 =	vlt.s32 v13, v21  }
0x87: {  	v6 =	vnsel vm10, $0x40000000, v17;
	v17 =	vmax.f32 v19, v22;
	v13 =	vsel vm11, v13, v21  }
0x88: {  	v18 =	vperm.xlane v6, v30;
	vm12 =	veq.f32 v4, v17;
	v17 =	vperm.xlane v1, v30  }
0x89: {  	v4 =	vsel vm0, v9, v10;
	v9 =	vperm.xlane v13, v27;
	v10 =	vnsel vm12, $0x40000000, v16  }
0x8a: {  	vm13 =	vlt.s32 v6, v18;
	v16 =	vperm.xlane v10, v30;
	v17 =	vmax.f32 v1, v17  }
0x8b: {  	vm14 =	vlt.s32 v13, v9;
	v6 =	vsel vm13, v6, v18;
	v18 =	vperm.xlane v2, v30  }
0x8c: {  	v19 =	vperm.xlane v6, v26;
	vm15 =	vlt.s32 v10, v16;
	v23 =	vsel vm14, v13, v9  }
0x8d: {  	v10 =	vsel vm15, v10, v16;
	v16 =	vperm.xlane v17, v26;
	v18 =	vmax.f32 v2, v18  }
0x8e: {  	vm4 =	vlt.s32 v6, v19;
	v21 =	vperm.xlane v10, v26;
	v22 =	vperm.xlane v18, v26  }
0x8f: {  	v6 =	vsel vm4, v6, v19;
	v9 =	vmax.f32 v17, v16;
	v19 =	vperm.xlane v23, v29  }
0x90: {  	vm5 =	vlt.s32 v10, v21;
	v13 =	vperm.xlane v9, v27;
	v16 =	vmax.f32 v18, v22  }
0x91: {  	v17 =	vperm.xlane v6, v27;
	v10 =	vsel vm5, v10, v21;
	v18 =	vperm.xlane v16, v27  }
0x92: {  	v56 =	vbroadcast v7, $0xA;
	[tilespmem:$0x1FEC0] =	vst v19;
	v19 =	vperm.xlane v10, v27;
	v9 =	vmax.f32 v9, v13  }
0x93: {  	vm6 =	vlt.s32 v6, v17;
	v13 =	vperm.xlane v9, v29;
	v16 =	vmax.f32 v16, v18  }
0x94: {  	v57 =	vbroadcast v8, $0xB;
	v17 =	vsel vm6, v6, v17;
	v6 =	vperm.xlane v16, v29  }
0x95: {  	v61 =	vbroadcast v8, $0xD;
	vm7 =	vlt.s32 v10, v19;
	v9 =	vmax.f32 v9, v13  }
0x96: {  	v10 =	vsel vm7, v10, v19;
	vm8 =	veq.f32 v1, v9;
	v1 =	vmax.f32 v16, v6  }
0x97: {  	[tilespmem:$0x1FEF0] =	vst v10;
	v10 =	vperm.xlane v10, v29;
	vm9 =	veq.f32 v2, v1;
	v1 =	vperm.xlane v20, v30  }
0x98: {  	[tilespmem:$0x1FED0] =	vst v17;
	v17 =	vperm.xlane v17, v29;
	v9 =	vperm.xlane v3, v30;
	v6 =	vnsel vm8, $0x40000000, v15  }
0x99: {  	[tilespmem:$0x1FF00] =	vst v10;
	v2 =	vnsel vm9, $0x40000000, v14;
	v10 =	vperm.xlane v5, v30;
	v1 =	vmax.f32 v20, v1  }
0x9a: {  	v13 =	vperm.xlane v6, v30;
	v9 =	vmax.f32 v3, v9;
	v15 =	vperm.xlane v1, v26  }
0x9b: {  	v14 =	vperm.xlane v2, v30;
	v16 =	vperm.xlane v9, v26;
	v10 =	vmax.f32 v5, v10  }
0x9c: {  	[tilespmem:$0x1FEE0] =	vst v17;
	vm10 =	vlt.s32 v6, v13;
	v17 =	vperm.xlane v10, v26;
	v1 =	vmax.f32 v1, v15  }
0x9d: {  	v6 =	vsel vm10, v6, v13;
	vm11 =	vlt.s32 v2, v14;
	v13 =	vperm.xlane v1, v27  }
0x9e: {  	v9 =	vmax.f32 v9, v16;
	v2 =	vsel vm11, v2, v14;
	v10 =	vmax.f32 v10, v17  }
0x9f: {  	v14 =	vperm.xlane v9, v27;
	v15 =	vperm.xlane v10, v27;
	v1 =	vmax.f32 v1, v13  }
0xa0: {  	v46 =	vimm.f32 $-Inf;
	v60 =	vbroadcast v8, $0xF;
	v13 =	vperm.xlane v1, v29  }
0xa1: {  	v59 =	vbroadcast v8, $0xC;
	v9 =	vmax.f32 v9, v14;
	v10 =	vmax.f32 v10, v15  }
0xa2: {  	v14 =	vperm.xlane v9, v29;
	v15 =	vperm.xlane v10, v29;
	v1 =	vmax.f32 v1, v13  }
0xa3: {  	v53 =	vbroadcast v8, $0xA;
	v16 =	vperm.xlane v6, v26;
	vm14 =	veq.f32 v20, v1  }
0xa4: {  	v1 =	vmax.f32 v9, v14;
	v9 =	vmax.f32 v10, v15;
	v10 =	vnsel vm14, $0x40000000, v11  }
0xa5: {  	vm12 =	vlt.s32 v6, v16;
	vm15 =	veq.f32 v3, v1;
	v1 =	vperm.xlane v10, v30  }
0xa6: {  	v17 =	vperm.xlane v2, v26;
	v6 =	vsel vm12, v6, v16;
	vm4 =	veq.f32 v5, v9  }
0xa7: {  	v11 =	vperm.xlane v6, v27;
	v4 =	vnsel vm4, $0x40000000, v4;
	vm5 =	vlt.s32 v10, v1  }
0xa8: {  	v3 =	vnsel vm15, $0x40000000, v12;
	v9 =	vperm.xlane v4, v30;
	v1 =	vsel vm5, v10, v1  }
0xa9: {  	v38 =	vimm.f32 $-Inf;
	v5 =	vperm.xlane v3, v30;
	v10 =	vperm.xlane v1, v26  }
0xaa: {  	vm13 =	vlt.s32 v2, v17;
	vm8 =	vlt.s32 v6, v11;
	vm7 =	vlt.s32 v4, v9  }
0xab: {  	vm6 =	vlt.s32 v3, v5;
	v4 =	vsel vm7, v4, v9;
	vm10 =	vlt.s32 v1, v10  }
0xac: {  	v3 =	vsel vm6, v3, v5;
	v9 =	vperm.xlane v4, v26;
	v1 =	vsel vm10, v1, v10  }
0xad: {  	s12 =	simm.s32 $0x0;
	v11 =	vsel vm8, v6, v11;
	v5 =	vperm.xlane v3, v26;
	v6 =	vperm.xlane v1, v27  }
0xae: {  	s13 =	sand.u32 $0x70, s12;
	s14 =	sand.u32 $0x7E00, s12;
	v32 =	vimm.f32 $-Inf;
	v2 =	vsel vm13, v2, v17;
	vm12 =	vlt.s32 v4, v9  }
0xaf: {  	s13 =	sor.u32 s13, s14;
	vm11 =	vlt.s32 v3, v5;
	v4 =	vsel vm12, v4, v9;
	vm13 =	vlt.s32 v1, v6  }
0xb0: {  	v41 =	vld [tilespmem:s13+$0x100];
	v3 =	vsel vm11, v3, v5;
	v5 =	vperm.xlane v4, v27;
	v22 =	vsel vm13, v1, v6  }
0xb1: {  	v8 =	vimm.s32 $0x0;
	v52 =	vbroadcast v7, $0x9;
	v1 =	vperm.xlane v22, v29  }
0xb2: {  	v31 =	vimm.f32 $-Inf;
	v16 =	vld [tilespmem:s13+$0x0];
	v12 =	vperm.xlane v2, v27;
	vm15 =	vlt.s32 v4, v5  }
0xb3: {  	v34 =	vbroadcast v7, $0xC;
	v36 =	vbroadcast v7, $0xE;
	[tilespmem:$0x1FF50] =	vst v1;
	v1 =	vsel vm15, v4, v5  }
0xb4: {  	v37 =	vimm.f32 $-Inf;
	vm9 =	vlt.s32 v2, v12;
	[tilespmem:$0x1FF80] =	vst v1;
	v1 =	vperm.xlane v1, v29  }
0xb5: {  	v13 =	vmul.f32 v41, v52;
	v9 =	vsel vm9, v2, v12;
	v2 =	vperm.xlane v3, v27  }
0xb6: {  	v7 =	vimm.s32 $0x0;
	v14 =	vmul.f32 v41, v47;
	v10 =	vperm.xlane v11, v29;
	[tilespmem:$0x1FF90] =	vst v1;
	v1 =	vld [tilespmem:$0x1FFB0]  }
0xb7: {  	v17 =	vmul.f32 v16, v53;
	v19 =	vmul.f32 v16, v57;
	vm14 =	vlt.s32 v3, v2  }
0xb8: {  	v15 =	vmul.f32 v16, v59;
	v20 =	vmul.f32 v16, v62;
	[tilespmem:$0x1FF20] =	vst v10;
	v2 =	vsel vm14, v3, v2  }
0xb9: {  	v25 =	vimm.s32 $0x0;
	v12 =	vmul.f32 v16, v61;
	[tilespmem:$0x1FF60] =	vst v2;
	v2 =	vperm.xlane v2, v29  }
0xba: {  	v24 =	vld [tilespmem:s13+$0x180];
	v28 =	vimm.s32 $0x0;
	[tilespmem:$0x1FF30] =	vst v9;
	v9 =	vperm.xlane v9, v29;
	v10 =	vmul.f32 v41, v56  }
0xbb: {  	v30 =	vimm.s32 $0x0;
	v5 =	vld [tilespmem:s13+$0x80];
	[tilespmem:$0x1FF70] =	vst v2;
	v2 =	vmul.f32 v16, v48;
	v45 =	vbroadcast v1, $0x8  }
0xbc: {  	v26 =	vimm.s32 $0x0;
	v51 =	vbroadcast v1, $0x9;
	v55 =	vbroadcast v1, $0xA  }
0xbd: {  	v27 =	vimm.s32 $0x0;
	v58 =	vbroadcast v1, $0xB;
	v40 =	vbroadcast v1, $0xC  }
0xbe: {  	v6 =	vor.u32 s12, v0;
	v42 =	vbroadcast v1, $0xD;
	v44 =	vbroadcast v1, $0xE  }
0xbf: {  	[tilespmem:$0x1FF10] =	vst v11;
	v29 =	vimm.s32 $0x0;
	v49 =	vbroadcast v1, $0xF;
	v1 =	vmul.f32 v16, v43  }
0xc0: {  	[tilespmem:$0x1FF40] =	vst v9;
	v11 =	vadd.f32 v24, v2;
	v9 =	vmul.f32 v5, v45;
	v18 =	vmul.f32 v5, v51  }
0xc1: {  	[tilespmem:$0x1FEB0] =	vst v23;
	s13 =	simm.s32 $0x10;
	v21 =	vmul.f32 v5, v55;
	v23 =	vmul.f32 v5, v58;
	v1 =	vadd.f32 v24, v1  }
.LBB2_9:
0xc2: {  	p0 =	sne.s32 s13, $0x1FF0;
	v2 =	vadd.f32 v24, v17;
	v3 =	vadd.f32 v24, v19;
	v4 =	vmul.f32 v16, v60  }
0xc3: {  	v15 =	vadd.f32 v24, v15;
	v16 =	vmul.f32 v5, v40;
	v12 =	vadd.f32 v24, v12  }
0xc4: {  	v17 =	vmul.f32 v5, v42;
	v19 =	vadd.f32 v24, v20;
	v4 =	vadd.f32 v24, v4  }
0xc5: {  	v1 =	vadd.f32 v1, v9;
	v9 =	vadd.f32 v11, v18;
	v11 =	vmul.f32 v5, v44  }
0xc6: {  	v5 =	vmul.f32 v5, v49;
	v2 =	vadd.f32 v2, v21;
	v3 =	vadd.f32 v3, v23  }
0xc7: {  	v18 =	vmul.f32 v41, v33;
	v15 =	vadd.f32 v15, v16;
	v12 =	vadd.f32 v12, v17  }
0xc8: {  	v16 =	vmul.f32 v41, v34;
	v11 =	vadd.f32 v19, v11;
	v4 =	vadd.f32 v4, v5  }
0xc9: {  	v1 =	vadd.f32 v1, v14;
	v5 =	vadd.f32 v9, v13;
	v9 =	vmul.f32 v41, v35  }
0xca: {  	v2 =	vadd.f32 v2, v10;
	v3 =	vadd.f32 v3, v18;
	v10 =	vmul.f32 v41, v36  }
0xcb: {  	s12 =	sadd.s32 $0x40, s12;
	v13 =	vadd.f32 v15, v16;
	v9 =	vadd.f32 v12, v9;
	v12 =	vmul.f32 v41, v39  }
0xcc: {  	s14 =	sand.u32 $0x70, s13;
	s15 =	sand.u32 $0x7E00, s12;
	vm0 =	vgt.f32 v1, v63;
	vm1 =	vgt.f32 v5, v54;
	v10 =	vadd.f32 v11, v10  }
0xcd: {  	s14 =	sor.u32 s14, s15;
	v63 =	vsel vm0, v1, v63;
	v54 =	vsel vm1, v5, v54;
	v1 =	vadd.f32 v4, v12  }
0xce: {  	vm2 =	vgt.f32 v2, v50;
	vm3 =	vgt.f32 v3, v46;
	vm4 =	vgt.f32 v13, v37;
	v41 =	vld [tilespmem:s14+$0x100]  }
0xcf: {  	v50 =	vsel vm2, v2, v50;
	v46 =	vsel vm3, v3, v46;
	v37 =	vsel vm4, v13, v37  }
0xd0: {  	vm5 =	vgt.f32 v9, v38;
	vm6 =	vgt.f32 v10, v31;
	vm7 =	vgt.f32 v1, v32;
	v5 =	vld [tilespmem:s14+$0x80]  }
0xd1: {  	v38 =	vsel vm5, v9, v38;
	v31 =	vsel vm6, v10, v31;
	v32 =	vsel vm7, v1, v32  }
0xd2: {  	v29 =	vsel vm0, v6, v29;
	v30 =	vsel vm1, v6, v30;
	v28 =	vsel vm2, v6, v28;
	v16 =	vld [tilespmem:s14+$0x0]  }
0xd3: {  	v8 =	vsel vm3, v6, v8;
	v25 =	vsel vm4, v6, v25;
	v14 =	vmul.f32 v41, v47  }
0xd4: {  	v26 =	vsel vm5, v6, v26;
	v13 =	vmul.f32 v41, v52;
	v10 =	vmul.f32 v41, v56  }
0xd5: {  	v27 =	vsel vm6, v6, v27;
	v24 =	vld [tilespmem:s14+$0x180];
	v9 =	vmul.f32 v5, v45;
	v18 =	vmul.f32 v5, v51  }
.Ltmp3:
0xd6: {  	v7 =	vsel vm7, v6, v7;
	v21 =	vmul.f32 v5, v55;
	v23 =	vmul.f32 v5, v58;
	(pc) =	sbr.rel @p0 .LBB2_9-.Ltmp3, $4  }
0xd7: {  	v1 =	vmul.f32 v16, v43;
	v2 =	vmul.f32 v16, v48  }
0xd8: {  	v17 =	vmul.f32 v16, v53;
	v19 =	vmul.f32 v16, v57  }
0xd9: {  	v6 =	vor.u32 s13, v0;
	v15 =	vmul.f32 v16, v59;
	v12 =	vmul.f32 v16, v61  }
0xda: {  	s13 =	sadd.s32 $0x10, s13;
	v20 =	vmul.f32 v16, v62;
	v1 =	vadd.f32 v24, v1;
	v11 =	vadd.f32 v24, v2  }
0xdb: {  	_ = 	snop  }
0xdc: {  	v43 =	vld [tilespmem:$0x1FFC0];
	v1 =	vadd.f32 v1, v9  }
0xdd: {  	v45 =	vld [tilespmem:$0x1FFD0];
	v4 =	vadd.f32 v24, v19;
	v11 =	vadd.f32 v11, v18  }
0xde: {  	v15 =	vadd.f32 v24, v15;
	v51 =	vld [tilespmem:$0x1FEC0];
	v1 =	vadd.f32 v1, v14  }
0xdf: {  	v59 =	vmul.f32 v16, v60;
	v12 =	vadd.f32 v24, v12;
	v52 =	vld [tilespmem:$0x1FED0];
	v11 =	vadd.f32 v11, v13  }
0xe0: {  	v62 =	vmul.f32 v5, v40;
	v33 =	vmul.f32 v41, v33;
	v53 =	vld [tilespmem:$0x1FEE0];
	vm0 =	vgt.f32 v1, v63  }
0xe1: {  	v40 =	vmul.f32 v41, v34;
	v55 =	vld [tilespmem:$0x1FF00];
	vm6 =	vgt.f32 v11, v54;
	v1 =	vsel vm0, v1, v63  }
0xe2: {  	v48 =	vmul.f32 v41, v39;
	v11 =	vsel vm6, v11, v54;
	v54 =	vld [tilespmem:$0x1FEF0];
	v2 =	vperm.xlane v1, v43  }
0xe3: {  	v4 =	vadd.f32 v4, v23;
	v23 =	vmul.f32 v5, v49;
	v49 =	vld [tilespmem:$0x1FEB0];
	v56 =	vperm.xlane v11, v43  }
0xe4: {  	v47 =	vld [tilespmem:$0x1FFE0];
	v61 =	vadd.f32 v24, v20;
	v9 =	vadd.f32 v24, v59;
	v2 =	vmax.f32 v1, v2  }
0xe5: {  	v4 =	vadd.f32 v4, v33;
	v13 =	vmax.f32 v11, v56;
	v3 =	vperm.xlane v2, v45  }
0xe6: {  	vm4 =	vlt.s32 v52, v53;
	v63 =	vmul.f32 v5, v42;
	v59 =	vperm.xlane v13, v45  }
0xe7: {  	vm14 =	vlt.s32 v54, v55;
	v2 =	vmax.f32 v2, v3;
	v3 =	vadd.f32 v24, v17  }
0xe8: {  	v20 =	vld [tilespmem:$0x1FFF0];
	v42 =	vmul.f32 v41, v35;
	vm2 =	vlt.s32 v49, v51;
	v58 =	vsel vm14, v54, v55  }
0xe9: {  	v13 =	vmax.f32 v13, v59;
	v60 =	vperm.xlane v2, v47;
	v3 =	vadd.f32 v3, v21  }
0xea: {  	v57 =	vld [tilespmem:$0x1FFA0];
	v21 =	vmul.f32 v5, v44;
	v5 =	vadd.f32 v9, v23;
	v44 =	vmul.f32 v41, v36  }
0xeb: {  	v9 =	vsel vm2, v49, v51;
	vm2 =	vgt.f32 v4, v46;
	v41 =	vsel vm6, v6, v30  }
0xec: {  	v2 =	vmax.f32 v2, v60;
	v4 =	vsel vm2, v4, v46;
	v9 =	vcvt.s32.f32 v9  }
0xed: {  	v8 =	vsel vm2, v6, v8;
	v14 =	vperm.xlane v2, v20;
	v24 =	vadd.f32 v61, v21  }
0xee: {  	v23 =	vld [tilespmem:$0x1FF50];
	v3 =	vadd.f32 v3, v10;
	v5 =	vadd.f32 v5, v48;
	v10 =	vsel vm4, v52, v53  }
0xef: {  	v60 =	vld [tilespmem:$0x1FF10];
	v9 =	vadd.f32 v9, v57;
	v10 =	vcvt.s32.f32 v10;
	v2 =	vmax.f32 v2, v14  }
0xf0: {  	v61 =	vld [tilespmem:$0x1FF20];
	vm1 =	vgt.f32 v3, v50;
	v14 =	vcvt.s32.f32 v58;
	vm10 =	vgt.f32 v5, v32  }
0xf1: {  	vm3 =	veq.f32 v1, v2;
	v1 =	vadd.f32 v15, v62;
	v2 =	vadd.f32 v12, v63  }
0xf2: {  	v12 =	vadd.f32 v24, v44;
	v3 =	vsel vm1, v3, v50;
	v10 =	vadd.f32 v10, v9  }
0xf3: {  	v21 =	vld [tilespmem:$0x1FF40];
	vm8 =	vlt.s32 v22, v23;
	v24 =	vperm.xlane v13, v47;
	v5 =	vsel vm10, v5, v32  }
0xf4: {  	v63 =	vld [tilespmem:$0x1FF30];
	v53 =	vsel vm1, v6, v28;
	v33 =	vsel vm8, v22, v23;
	v36 =	vperm.xlane v3, v43  }
0xf5: {  	v49 =	vld [tilespmem:$0x1FF80];
	v1 =	vadd.f32 v1, v40;
	v2 =	vadd.f32 v2, v42;
	vm7 =	vlt.s32 v60, v61  }
0xf6: {  	v50 =	vld [tilespmem:$0x1FF90];
	v13 =	vmax.f32 v13, v24;
	vm8 =	vgt.f32 v12, v31;
	v62 =	vsel vm7, v60, v61  }
0xf7: {  	v35 =	vperm.xlane v13, v20;
	vm4 =	vgt.f32 v1, v37;
	vm5 =	vgt.f32 v2, v38  }
0xf8: {  	v57 =	vsel vm8, v6, v27;
	v1 =	vsel vm4, v1, v37;
	v9 =	vsel vm5, v2, v38  }
0xf9: {  	v44 =	vld [tilespmem:$0x1FF70];
	v2 =	vadd.f32 v14, v10;
	vm15 =	vlt.s32 v63, v21;
	v10 =	vcvt.s32.f32 v62  }
0xfa: {  	v42 =	vld [tilespmem:$0x1FF60];
	v13 =	vmax.f32 v13, v35;
	v37 =	vsel vm0, v6, v29;
	v38 =	vcvt.s32.f32 v33  }
0xfb: {  	vm14 =	vlt.s32 v49, v50;
	v55 =	vsel vm4, v6, v25;
	v56 =	vsel vm5, v6, v26  }
0xfc: {  	v62 =	vperm.xlane v4, v43;
	v15 =	vsel vm15, v63, v21;
	v14 =	vnsel vm3, $0x40000000, v37  }
0xfd: {  	vm11 =	veq.f32 v11, v13;
	v18 =	vsel vm14, v49, v50;
	v22 =	vperm.xlane v1, v43  }
0xfe: {  	v2 =	vadd.f32 v10, v2;
	v34 =	vcvt.s32.f32 v15;
	v10 =	vsel vm8, v12, v31  }
0xff: {  	v12 =	vmax.f32 v3, v36;
	v39 =	vperm.xlane v14, v43;
	vm12 =	vlt.s32 v42, v44  }
0x100: {  	v46 =	vnsel vm11, $0x40000000, v41;
	v18 =	vcvt.s32.f32 v18;
	v21 =	vmax.f32 v4, v62  }
0x101: {  	v31 =	vperm.xlane v9, v43;
	v40 =	vperm.xlane v12, v45;
	v16 =	vsel vm12, v42, v44  }
0x102: {  	v52 =	vperm.xlane v46, v43;
	v24 =	vperm.xlane v21, v45;
	vm13 =	vlt.s32 v14, v39  }
0x103: {  	v2 =	vadd.f32 v34, v2;
	v12 =	vmax.f32 v12, v40;
	v11 =	vsel vm13, v14, v39  }
0x104: {  	vm6 =	vlt.s32 v46, v52;
	v48 =	vperm.xlane v12, v47;
	v51 =	vperm.xlane v11, v45  }
0x105: {  	v16 =	vcvt.s32.f32 v16;
	v2 =	vadd.f32 v38, v2;
	v13 =	vsel vm6, v46, v52  }
0x106: {  	v58 =	vperm.xlane v13, v45;
	v12 =	vmax.f32 v12, v48;
	vm15 =	vlt.s32 v11, v51  }
0x107: {  	v2 =	vadd.f32 v16, v2;
	v14 =	vperm.xlane v12, v20;
	v11 =	vsel vm15, v11, v51  }
0x108: {  	v25 =	vmax.f32 v1, v22;
	vm9 =	vlt.s32 v13, v58;
	v54 =	vperm.xlane v11, v47  }
0x109: {  	v2 =	vadd.f32 v18, v2;
	v13 =	vsel vm9, v13, v58;
	v12 =	vmax.f32 v12, v14  }
0x10a: {  	v63 =	vperm.xlane v13, v47;
	v14 =	vperm.xlane v25, v45;
	vm8 =	veq.f32 v3, v12  }
0x10b: {  	vm0 =	vlt.s32 v11, v54;
	v12 =	vmax.f32 v21, v24;
	v60 =	vnsel vm8, $0x40000000, v53  }
0x10c: {  	v11 =	vsel vm0, v11, v54;
	v27 =	vperm.xlane v12, v47;
	v61 =	vperm.xlane v60, v43  }
0x10d: {  	v3 =	vsel vm10, v6, v7;
	vm12 =	vlt.s32 v13, v63;
	v59 =	vperm.xlane v11, v20  }
0x10e: {  	v28 =	vmax.f32 v25, v14;
	v12 =	vmax.f32 v12, v27;
	vm11 =	vlt.s32 v60, v61  }
0x10f: {  	vm10 =	vlt.s32 v11, v59;
	v15 =	vperm.xlane v12, v20;
	v7 =	vsel vm11, v60, v61  }
0x110: {  	v6 =	vsel vm10, v11, v59;
	v11 =	vsel vm12, v13, v63;
	v23 =	vperm.xlane v7, v45  }
0x111: {  	v6 =	vcvt.s32.f32 v6;
	v26 =	vperm.xlane v11, v20;
	v12 =	vmax.f32 v12, v15  }
0x112: {  	v34 =	vperm.xlane v10, v43;
	v14 =	vperm.xlane v28, v47;
	vm4 =	veq.f32 v4, v12  }
0x113: {  	vm13 =	vlt.s32 v7, v23;
	v2 =	vadd.f32 v6, v2;
	vm14 =	vlt.s32 v11, v26  }
0x114: {  	v6 =	vmax.f32 v28, v14;
	v4 =	vnsel vm4, $0x40000000, v8;
	v7 =	vsel vm13, v7, v23  }
0x115: {  	v11 =	vsel vm14, v11, v26;
	v30 =	vperm.xlane v6, v20;
	v35 =	vperm.xlane v4, v43  }
0x116: {  	v33 =	vmax.f32 v9, v31;
	v29 =	vperm.xlane v7, v47;
	v11 =	vcvt.s32.f32 v11  }
0x117: {  	v39 =	vperm.xlane v5, v43;
	v6 =	vmax.f32 v6, v30;
	vm7 =	vlt.s32 v4, v35  }
0x118: {  	vm15 =	vlt.s32 v7, v29;
	v2 =	vadd.f32 v11, v2;
	vm5 =	veq.f32 v1, v6  }
0x119: {  	v1 =	vperm.xlane v33, v45;
	v6 =	vmax.f32 v10, v34;
	v4 =	vsel vm7, v4, v35  }
0x11a: {  	v11 =	vmax.f32 v5, v39;
	v7 =	vsel vm15, v7, v29;
	v38 =	vperm.xlane v6, v45  }
0x11b: {  	v36 =	vnsel vm5, $0x40000000, v55;
	v41 =	vperm.xlane v4, v45;
	v42 =	vperm.xlane v11, v45  }
0x11c: {  	v32 =	vperm.xlane v7, v20;
	v37 =	vperm.xlane v36, v43;
	v1 =	vmax.f32 v33, v1  }
0x11d: {  	v8 =	vperm.xlane v1, v47;
	v6 =	vmax.f32 v6, v38;
	vm9 =	vlt.s32 v4, v41  }
0x11e: {  	v44 =	vmax.f32 v11, v42;
	vm6 =	vlt.s32 v7, v32;
	vm8 =	vlt.s32 v36, v37  }
0x11f: {  	v40 =	vperm.xlane v6, v47;
	v48 =	vperm.xlane v44, v47;
	v4 =	vsel vm9, v4, v41  }
0x120: {  	v7 =	vsel vm6, v7, v32;
	v1 =	vmax.f32 v1, v8;
	v13 =	vsel vm8, v36, v37  }
0x121: {  	v50 =	vperm.xlane v4, v47;
	v8 =	vperm.xlane v1, v20;
	v6 =	vmax.f32 v6, v40  }
0x122: {  	v7 =	vcvt.s32.f32 v7;
	v49 =	vmax.f32 v44, v48;
	v46 =	vperm.xlane v6, v20  }
0x123: {  	v51 =	vperm.xlane v49, v20;
	vm13 =	vlt.s32 v4, v50;
	v1 =	vmax.f32 v1, v8  }
0x124: {  	v2 =	vadd.f32 v7, v2;
	v4 =	vsel vm13, v4, v50;
	vm10 =	veq.f32 v9, v1  }
0x125: {  	v1 =	vperm.xlane v13, v45;
	v6 =	vmax.f32 v6, v46;
	v55 =	vperm.xlane v4, v20  }
0x126: {  	vm12 =	veq.f32 v10, v6;
	v53 =	vnsel vm10, $0x40000000, v56;
	v6 =	vmax.f32 v49, v51  }
0x127: {  	vm11 =	vlt.s32 v13, v1;
	v54 =	vperm.xlane v53, v43;
	v56 =	vnsel vm12, $0x40000000, v57  }
0x128: {  	vm4 =	veq.f32 v5, v6;
	vm6 =	vlt.s32 v4, v55;
	v1 =	vsel vm11, v13, v1  }
0x129: {  	v57 =	vperm.xlane v56, v43;
	v3 =	vnsel vm4, $0x40000000, v3;
	vm15 =	vlt.s32 v53, v54  }
0x12a: {  	v52 =	vperm.xlane v1, v47;
	v59 =	vperm.xlane v3, v43;
	v58 =	vsel vm15, v53, v54  }
0x12b: {  	v4 =	vsel vm6, v4, v55;
	vm5 =	vlt.s32 v56, v57;
	v8 =	vperm.xlane v58, v45  }
0x12c: {  	vm14 =	vlt.s32 v1, v52;
	v5 =	vsel vm5, v56, v57;
	vm2 =	vlt.s32 v3, v59  }
0x12d: {  	v1 =	vsel vm14, v1, v52;
	v11 =	vperm.xlane v5, v45;
	vm7 =	vlt.s32 v58, v8  }
0x12e: {  	v3 =	vsel vm2, v3, v59;
	v60 =	vperm.xlane v1, v20;
	v6 =	vsel vm7, v58, v8  }
0x12f: {  	v9 =	vperm.xlane v3, v45;
	vm9 =	vlt.s32 v5, v11;
	v8 =	vperm.xlane v6, v47  }
0x130: {  	v4 =	vcvt.s32.f32 v4;
	vm8 =	vlt.s32 v1, v60;
	v5 =	vsel vm9, v5, v11  }
0x131: {  	vm11 =	vlt.s32 v3, v9;
	v61 =	vperm.xlane v5, v47;
	vm10 =	vlt.s32 v6, v8  }
0x132: {  	v1 =	vsel vm8, v1, v60;
	v3 =	vsel vm11, v3, v9;
	v6 =	vsel vm10, v6, v8  }
0x133: {  	v9 =	vperm.xlane v3, v47;
	vm12 =	vlt.s32 v5, v61;
	v8 =	vperm.xlane v6, v20  }
0x134: {  	v2 =	vadd.f32 v4, v2;
	v1 =	vcvt.s32.f32 v1;
	v62 =	vsel vm12, v5, v61  }
0x135: {  	vm1 =	vlt.s32 v3, v9;
	v5 =	vperm.xlane v62, v20;
	vm13 =	vlt.s32 v6, v8  }
0x136: {  	v1 =	vadd.f32 v1, v2;
	v3 =	vsel vm1, v3, v9;
	v2 =	vsel vm13, v6, v8  }
0x137: {  	s11 =	sadd.s32 $0x1, s11;
	v63 =	vperm.xlane v3, v20;
	vm14 =	vlt.s32 v62, v5;
	v2 =	vcvt.s32.f32 v2  }
0x138: {  	p0 =	sne.s32 s11, $0x8;
	v4 =	vsel vm14, v62, v5  }
.Ltmp4:
0x139: {  	vm15 =	vlt.s32 v3, v63;
	v1 =	vadd.f32 v2, v1;
	v2 =	vcvt.s32.f32 v4;
	(pc) =	sbr.rel @p0 .LBB2_6-.Ltmp4, $3  }
0x13a: {  	v3 =	vsel vm15, v3, v63  }
0x13b: {  	v1 =	vadd.f32 v2, v1;
	v2 =	vcvt.s32.f32 v3;
	_ =	sdelay $0x1  }
0x13c: {  	v1 =	vadd.f32 v2, v1  }
0x13d: {  	s10 =	sadd.s32 $0x1, s10  }
0x13e: {  	p0 =	sne.s32 s10, s6  }
.Ltmp5:
0x13f: {  	[tilespmem:$0x8200] =	vst v1;
	(pc) =	sbr.rel @p0 .LBB2_1-.Ltmp5, $4  }
0x140: {  	[hbm4b:s5+s3] =	stream.linear.scatter [tilespmem:s9], [sflag:$0x1], $0x80, $0x38;
	[tilespmem:$0x8280] =	vst v63  }
0x141: {  	_ =	swait.ge [sflag:s7], $0x80  }
0x142: {  	[sflag:s7] =	ssyncset.done $0x0  }
0x143: {  	[sflag:s7] =	ssyncadd.s32 $0xFFFFFF80  }
0x144: {  	_ =	sfence.sel $0x180000  }
0x145: {  	[bflag:$0x0] =	sbarrier.arrive $0xFFFF  }
0x146: {  	p0 =	sne.s32 s2, $0x0;
	_ =	strace $0x90000047  }
0x147: {  	s0 =	sadd.s32 @!p0 $0x100000, s0;
	[bflag:$0x2] =	sbarrier.arrive $0xFFFF  }
0x148: {  	[sflag:s0] =	ssyncadd.tile.s32 @!p0 $0x1;
	_ =	shalt  }
.Lfunc_end2:
_tile_overlayer_lowered:
.L_overlay_start_2:
0x149: {  	(tag) =	ssettag $0x2  }
0x14a: {  	s0 =	rddreg [dreg:$0x0];
	s2 =	stileid.u32  }
0x14b: {  	s1 =	rddreg [dreg:$0x1];
	p0 =	sne.s32 s2, $0x0  }
0x14c: {  	s3 =	rddreg [dreg:$0x2];
	[bflag:$0x3] =	sbarrier.arrive $0xFFFF;
	s2 =	simm.s32 @!p0 $0x1C01  }
0x14d: {  	[timem:s3], [sflag:s2] =	dma.local @!p0 [hbm:s0], s1  }
0x14e: {  	s0 =	simm.s32 @!p0 $0x1  }
0x14f: {  	_ =	swait.ge @!p0 [sflag:s0], s1  }
0x150: {  	s1 =	ssub.s32 @!p0 $0x0, s1;
	[sflag:s0] =	ssyncset.done @!p0 $0x0  }
0x151: {  	[sflag:s0] =	ssyncadd.s32 @!p0 s1  }
0x152: {  	[bflag:$0x3] =	sbarrier.arrive $0xFFFF  }
0x153: {  	_ =	shalt  }

</sc_bundles>
